<compile_context>
chip_gen: v7x
topology: tpu7x:2x2x1
jax: 0.10.2.dev20260603
libtpu: 0.0.44.dev20260713+nightly
codegen_flags: <defaults>
</compile_context>

<pallas_src>
import functools

import jax
import jax.numpy as jnp
from jax import lax
from jax.experimental import pallas as pl
from jax.experimental.pallas import tpu as pltpu
from jax.experimental.pallas import tpu_sc as plsc

NC = 2
NS = 16
L = 16
NW = NC * NS

GROUP = 22
POS = 2 * GROUP

CHUNK = 8000


@functools.lru_cache(maxsize=None)
def _make_sc_hist(n):
    assert n % CHUNK == 0 and CHUNK % L == 0
    nchunks = n // CHUNK
    mesh = plsc.VectorSubcoreMesh(
        core_axis_name="c", subcore_axis_name="s",
        num_cores=NC, num_subcores=NS)

    @functools.partial(
        pl.kernel,
        out_type=jax.ShapeDtypeStruct((NW * L, POS), jnp.float32),
        mesh=mesh,
        compiler_params=pltpu.CompilerParams(needs_layout_passes=False),
        scratch_types=[
            pltpu.VMEM((2 * CHUNK,), jnp.float32),
            pltpu.VMEM((2 * CHUNK,), jnp.int32),
            pltpu.VMEM((L, POS), jnp.float32),
            pltpu.SemaphoreType.DMA,
            pltpu.SemaphoreType.DMA,
            pltpu.SemaphoreType.DMA,
            pltpu.SemaphoreType.DMA,
        ],
    )
    def hist_kernel(y_hbm, s_hbm, out_hbm, ybuf, sbuf, acc, sy0, sy1, ss0, ss1):
        wid = lax.axis_index("s") * NC + lax.axis_index("c")
        lane_seq = lax.iota(jnp.int32, L)
        nmine = (nchunks - wid + NW - 1) // NW
        sy = (sy0, sy1)
        ss = (ss0, ss1)

        def start(k, b):
            @pl.when(k < nmine)
            def _():
                base = (wid + k * NW) * CHUNK
                pltpu.async_copy(
                    y_hbm.at[pl.ds(base, CHUNK)],
                    ybuf.at[pl.ds(b * CHUNK, CHUNK)], sy[b])
                pltpu.async_copy(
                    s_hbm.at[pl.ds(base, CHUNK)],
                    sbuf.at[pl.ds(b * CHUNK, CHUNK)], ss[b])

        def work(k, b):
            @pl.when(k < nmine)
            def _():
                pltpu.make_async_copy(
                    y_hbm.at[pl.ds(0, CHUNK)],
                    ybuf.at[pl.ds(b * CHUNK, CHUNK)], sy[b]).wait()
                pltpu.make_async_copy(
                    s_hbm.at[pl.ds(0, CHUNK)],
                    sbuf.at[pl.ds(b * CHUNK, CHUNK)], ss[b]).wait()

                @plsc.parallel_loop(0, CHUNK // L, unroll=8)
                def _vec_loop(v):
                    off = b * CHUNK + v * L
                    x = ybuf[pl.ds(off, L)]
                    si = sbuf[pl.ds(off, L)]
                    g = x * jnp.float32(20.0)
                    j = g.astype(jnp.int32)
                    frac = g - j.astype(jnp.float32)
                    pos = si * GROUP + j
                    plsc.addupdate_scatter(
                        acc, [lane_seq, pos], jnp.float32(1.0) - frac)
                    plsc.addupdate_scatter(acc, [lane_seq, pos + 1], frac)

                start(k + 2, b)

        start(0, 0)
        start(1, 1)
        zero16 = jnp.zeros((L,), jnp.float32)
        for i in range(L):
            for q in range(POS // L):
                acc[i, pl.ds(q * L, L)] = zero16
            acc[i, pl.ds(POS - L, L)] = zero16

        @pl.loop(0, (nmine + 1) // 2)
        def _outer(t):
            k = t * 2
            work(k, 0)
            work(k + 1, 1)

        pltpu.sync_copy(acc, out_hbm.at[pl.ds(wid * L, L)])

    return hist_kernel


def _finish_body(p_ref, ab_ref, out_ref):
    x = p_ref[:]
    h = jnp.sum(x, axis=0, keepdims=True)
    h0 = h[:, 0:21]
    h1 = h[:, GROUP:GROUP + 21]
    n0 = h0 / jnp.sum(h0)
    n1 = h1 / jnp.sum(h1)
    b = lax.broadcasted_iota(jnp.int32, (1, 21), 1)
    keep = (b >= ab_ref[0]) & (b < ab_ref[1])
    out_ref[0, 0] = jnp.sum(jnp.where(keep, jnp.abs(n0 - n1), jnp.float32(0.0)))


def kernel(y_pred, s, y_gt, pct_a, pct_b):
    n = y_pred.shape[0]
    p2 = _make_sc_hist(n)(y_pred, s)
    a_bin = (20 * jnp.asarray(pct_a, jnp.float32)).astype(jnp.int32)
    b_bin = (20 * jnp.asarray(pct_b, jnp.float32)).astype(jnp.int32)
    ab = jnp.stack([a_bin, b_bin])
    reg = pl.pallas_call(
        _finish_body,
        out_shape=jax.ShapeDtypeStruct((1, 1), jnp.float32),
        in_specs=[
            pl.BlockSpec(memory_space=pltpu.VMEM),
            pl.BlockSpec(memory_space=pltpu.SMEM),
        ],
        out_specs=pl.BlockSpec(memory_space=pltpu.SMEM),
    )(p2, ab)
    z = jnp.zeros((1,), jnp.float32)
    return (reg[0, 0], z, z, z)

# --- scband reference (transcript-rebuilt; emitter-appended) ---
"""Pipeline reference for scband-histogram-reg-25933012533653 (READ-ONLY COPY).

The authoritative reference and input builder live on the scoring server;
editing this copy changes nothing except your own understanding.
"""

import jax, jax.numpy as jnp
import numpy as np


def differentiable_histogram_weighted(x, w, mn=0.0, mx=1.0, bin_width=0.05):
    # Faithful translation of the torch differentiable_histogram, with group
    # membership expressed as a 0/1 weight vector (mathematically identical to
    # boolean filtering y_pred[s==g] before histogramming, but static-shaped).
    nodes = int((mx - mn) / bin_width + 1)
    bin_table = np.arange(-1, nodes + 1).astype(np.float64) * bin_width
    hs = []
    for node in range(1, nodes + 1):
        t_r = float(bin_table[node])
        t_l = float(bin_table[node - 1])
        t_p = float(bin_table[node + 1])
        mask_sub = ((t_r > x) & (x >= t_l)).astype(jnp.float32)
        mask_plus = ((t_p > x) & (x >= t_r)).astype(jnp.float32)
        h = jnp.sum((x - t_l) / bin_width * mask_sub * w)
        h = h + jnp.sum((t_p - x) / bin_width * mask_plus * w)
        hs.append(h)
    hist = jnp.stack(hs)
    return hist / jnp.sum(hist)


def setup_inputs(seed: int = 0):
    key = jax.random.key(seed)
    k1, k2, k3 = jax.random.split(key, 3)
    N = 2000000
    y_pred = jax.random.uniform(k1, (N,), dtype=jnp.float32)
    s = jax.random.randint(k2, (N,), 0, 2, dtype=jnp.int32)
    y_gt = jax.random.uniform(k3, (N,), dtype=jnp.float32)
    return {"y_pred": y_pred, "s": s, "y_gt": y_gt, "pct_a": 0.0, "pct_b": 1.0}


def reference(y_pred, s, y_gt, pct_a, pct_b):
    bin_width = 0.05
    w0 = (s == 0).astype(jnp.float32)
    w1 = (s == 1).astype(jnp.float32)
    bins = int(1 / bin_width)
    h0 = differentiable_histogram_weighted(y_pred, w0, 0.0, 1.0, bin_width)
    h1 = differentiable_histogram_weighted(y_pred, w1, 0.0, 1.0, bin_width)
    h0 = h0 / jnp.sum(h0)
    h1 = h1 / jnp.sum(h1)
    # local_reg=True, threshold_based=True path
    pct_a_bin = (bins * jnp.asarray(pct_a, dtype=jnp.float32)).astype(jnp.int32)
    pct_b_bin = (bins * jnp.asarray(pct_b, dtype=jnp.float32)).astype(jnp.int32)
    idx = jnp.arange(h0.shape[0], dtype=jnp.int32)
    keep = (idx >= pct_a_bin) & (idx < pct_b_bin)
    h0 = jnp.where(keep, h0, jnp.float32(0.0))
    h1 = jnp.where(keep, h1, jnp.float32(0.0))
    reg_loss = jnp.sum(jnp.abs(h0 - h1))
    z = jnp.zeros((1,), dtype=jnp.float32)
    return (reg_loss, z, z, z)

if __name__ == "__main__":
    import jax
    _d = setup_inputs()
    print(jax.jit(kernel)(*tuple(_d.values())))

</pallas_src>

<mosaic_0001>
#map = affine_map<(d0, d1) -> (0)>
#map1 = affine_map<(d0, d1) -> (0, 0)>
module attributes {stable_mosaic.version = 14 : i64} {
  func.func @hist_kernel(%arg0: i32, %arg1: i32, %arg2: memref<2000000xf32, #tpu.memory_space<hbm>>, %arg3: memref<2000000xi32, #tpu.memory_space<hbm>>, %arg4: memref<512x44xf32, #tpu.memory_space<hbm>>, %arg5: memref<16000xf32, #tpu.memory_space<vmem>>, %arg6: memref<16000xi32, #tpu.memory_space<vmem>>, %arg7: memref<16x44xf32, #tpu.memory_space<vmem>>, %arg8: memref<!tpu.dma_semaphore, #tpu.memory_space<semaphore_mem>>, %arg9: memref<!tpu.dma_semaphore, #tpu.memory_space<semaphore_mem>>, %arg10: memref<!tpu.dma_semaphore, #tpu.memory_space<semaphore_mem>>, %arg11: memref<!tpu.dma_semaphore, #tpu.memory_space<semaphore_mem>>) attributes {dimension_semantics = [#tpu.dimension_semantics<core_parallel>, #tpu.dimension_semantics<subcore_parallel>], iteration_bounds = array<i64: 2, 16>, scalar_prefetch = 0 : i64, scratch_operands = 7 : i64, tpu.core_type = #tpu.core_type<sc_vector_subcore>, window_params = [{transform_indices = #map}, {transform_indices = #map}, {transform_indices = #map1}]} {
    %mul3A = arith.constant 2 : i32
    %mul3A_0 = arith.muli %arg1, %mul3A : i32
    %add3A = arith.addi %mul3A_0, %arg0 : i32
    %iota3A = tpu.iota {dimensions = array<i32: 0>} : vector<16xi32>
    %sub3A = arith.constant 250 : i32
    %sub3A_1 = arith.subi %sub3A, %add3A : i32
    %add3A_2 = arith.constant 32 : i32
    %add3A_3 = arith.addi %sub3A_1, %add3A_2 : i32
    %sub3A_4 = arith.constant 1 : i32
    %sub3A_5 = arith.subi %add3A_3, %sub3A_4 : i32
    %jit3A = arith.constant 32 : i32
    %div3A = arith.divsi %sub3A_5, %jit3A : i32
    %sign3A = arith.constant 0 : i32
    %sign3A_6 = arith.cmpi sgt, %sub3A_5, %sign3A : i32
    %sign3A_7 = arith.extui %sign3A_6 : i1 to i32
    %sign3A_8 = arith.constant 0 : i32
    %sign3A_9 = arith.cmpi slt, %sub3A_5, %sign3A_8 : i32
    %sign3A_10 = arith.extui %sign3A_9 : i1 to i32
    %sign3A_11 = arith.subi %sign3A_7, %sign3A_10 : i32
    %sign3A_12 = arith.constant 0 : i32
    %sign3A_13 = arith.cmpi sgt, %jit3A, %sign3A_12 : i32
    %sign3A_14 = arith.extui %sign3A_13 : i1 to i32
    %sign3A_15 = arith.constant 0 : i32
    %sign3A_16 = arith.cmpi slt, %jit3A, %sign3A_15 : i32
    %sign3A_17 = arith.extui %sign3A_16 : i1 to i32
    %sign3A_18 = arith.subi %sign3A_14, %sign3A_17 : i32
    %ne3A = arith.cmpi ne, %sign3A_11, %sign3A_18 : i32
    %rem3A = arith.remsi %sub3A_5, %jit3A : i32
    %ne3A_19 = arith.constant 0 : i32
    %ne3A_20 = arith.cmpi ne, %rem3A, %ne3A_19 : i32
    %and3A = arith.andi %ne3A, %ne3A_20 : i1
    %sub3A_21 = arith.constant 1 : i32
    %sub3A_22 = arith.subi %div3A, %sub3A_21 : i32
    %select_n3A = arith.select %and3A, %sub3A_22, %div3A : i32
    %gt3A = arith.constant 0 : i32
    %gt3A_23 = arith.cmpi sgt, %select_n3A, %gt3A : i32
    %convert_element_type3A = arith.extui %gt3A_23 : i1 to i32
    %cond3A = arith.constant 0 : i32
    %cond3A_24 = arith.cmpi ne, %convert_element_type3A, %cond3A : i32
    scf.if %cond3A_24 {
      %add3A_268 = arith.constant 0 : i32
      %add3A_269 = arith.addi %add3A, %add3A_268 : i32
      %mul3A_270 = arith.constant 8000 : i32
      %mul3A_271 = arith.muli %add3A_269, %mul3A_270 : i32
      %dma_start3A = arith.constant 0 : i32
      %dma_start3A_272 = tpu.memref_slice %arg5[%dma_start3A] : memref<16000xf32, #tpu.memory_space<vmem>> -> memref<8000xf32, #tpu.memory_space<vmem>>
      %dma_start3A_273 = tpu.memref_slice %arg2[%mul3A_271] : memref<2000000xf32, #tpu.memory_space<hbm>> -> memref<8000xf32, #tpu.memory_space<hbm>>
      %dma_start3A_274 = arith.constant 0 : i32
      %dma_start3A_275 = tpu.memref_slice %arg5[%dma_start3A_274] : memref<16000xf32, #tpu.memory_space<vmem>> -> memref<8000xf32, #tpu.memory_space<vmem>>
      %dma_start3A_276 = tpu.memref_slice %arg2[%mul3A_271] : memref<2000000xf32, #tpu.memory_space<hbm>> -> memref<8000xf32, #tpu.memory_space<hbm>>
      tpu.enqueue_dma source(%dma_start3A_276 : memref<8000xf32, #tpu.memory_space<hbm>>) target(%dma_start3A_275 : memref<8000xf32, #tpu.memory_space<vmem>>) target_semaphore(%arg8 : memref<!tpu.dma_semaphore, #tpu.memory_space<semaphore_mem>>)
      %dma_start3A_277 = arith.constant 0 : i32
      %dma_start3A_278 = tpu.memref_slice %arg6[%dma_start3A_277] : memref<16000xi32, #tpu.memory_space<vmem>> -> memref<8000xi32, #tpu.memory_space<vmem>>
      %dma_start3A_279 = tpu.memref_slice %arg3[%mul3A_271] : memref<2000000xi32, #tpu.memory_space<hbm>> -> memref<8000xi32, #tpu.memory_space<hbm>>
      %dma_start3A_280 = arith.constant 0 : i32
      %dma_start3A_281 = tpu.memref_slice %arg6[%dma_start3A_280] : memref<16000xi32, #tpu.memory_space<vmem>> -> memref<8000xi32, #tpu.memory_space<vmem>>
      %dma_start3A_282 = tpu.memref_slice %arg3[%mul3A_271] : memref<2000000xi32, #tpu.memory_space<hbm>> -> memref<8000xi32, #tpu.memory_space<hbm>>
      tpu.enqueue_dma source(%dma_start3A_282 : memref<8000xi32, #tpu.memory_space<hbm>>) target(%dma_start3A_281 : memref<8000xi32, #tpu.memory_space<vmem>>) target_semaphore(%arg10 : memref<!tpu.dma_semaphore, #tpu.memory_space<semaphore_mem>>)
    } else {
    }
    %gt3A_25 = arith.constant 1 : i32
    %gt3A_26 = arith.cmpi sgt, %select_n3A, %gt3A_25 : i32
    %convert_element_type3A_27 = arith.extui %gt3A_26 : i1 to i32
    %cond3A_28 = arith.constant 0 : i32
    %cond3A_29 = arith.cmpi ne, %convert_element_type3A_27, %cond3A_28 : i32
    scf.if %cond3A_29 {
      %add3A_268 = arith.constant 32 : i32
      %add3A_269 = arith.addi %add3A, %add3A_268 : i32
      %mul3A_270 = arith.constant 8000 : i32
      %mul3A_271 = arith.muli %add3A_269, %mul3A_270 : i32
      %dma_start3A = arith.constant 8000 : i32
      %dma_start3A_272 = tpu.memref_slice %arg5[%dma_start3A] : memref<16000xf32, #tpu.memory_space<vmem>> -> memref<8000xf32, #tpu.memory_space<vmem>>
      %dma_start3A_273 = tpu.memref_slice %arg2[%mul3A_271] : memref<2000000xf32, #tpu.memory_space<hbm>> -> memref<8000xf32, #tpu.memory_space<hbm>>
      %dma_start3A_274 = arith.constant 8000 : i32
      %dma_start3A_275 = tpu.memref_slice %arg5[%dma_start3A_274] : memref<16000xf32, #tpu.memory_space<vmem>> -> memref<8000xf32, #tpu.memory_space<vmem>>
      %dma_start3A_276 = tpu.memref_slice %arg2[%mul3A_271] : memref<2000000xf32, #tpu.memory_space<hbm>> -> memref<8000xf32, #tpu.memory_space<hbm>>
      tpu.enqueue_dma source(%dma_start3A_276 : memref<8000xf32, #tpu.memory_space<hbm>>) target(%dma_start3A_275 : memref<8000xf32, #tpu.memory_space<vmem>>) target_semaphore(%arg9 : memref<!tpu.dma_semaphore, #tpu.memory_space<semaphore_mem>>)
      %dma_start3A_277 = arith.constant 8000 : i32
      %dma_start3A_278 = tpu.memref_slice %arg6[%dma_start3A_277] : memref<16000xi32, #tpu.memory_space<vmem>> -> memref<8000xi32, #tpu.memory_space<vmem>>
      %dma_start3A_279 = tpu.memref_slice %arg3[%mul3A_271] : memref<2000000xi32, #tpu.memory_space<hbm>> -> memref<8000xi32, #tpu.memory_space<hbm>>
      %dma_start3A_280 = arith.constant 8000 : i32
      %dma_start3A_281 = tpu.memref_slice %arg6[%dma_start3A_280] : memref<16000xi32, #tpu.memory_space<vmem>> -> memref<8000xi32, #tpu.memory_space<vmem>>
      %dma_start3A_282 = tpu.memref_slice %arg3[%mul3A_271] : memref<2000000xi32, #tpu.memory_space<hbm>> -> memref<8000xi32, #tpu.memory_space<hbm>>
      tpu.enqueue_dma source(%dma_start3A_282 : memref<8000xi32, #tpu.memory_space<hbm>>) target(%dma_start3A_281 : memref<8000xi32, #tpu.memory_space<vmem>>) target_semaphore(%arg11 : memref<!tpu.dma_semaphore, #tpu.memory_space<semaphore_mem>>)
    } else {
    }
    %broadcast_in_dim3A = arith.constant 0.000000e+00 : f32
    %broadcast_in_dim3A_30 = vector.broadcast %broadcast_in_dim3A : f32 to vector<16xf32>
    %swap3A = arith.constant 0 : i32
    %swap3A_31 = arith.index_cast %swap3A : i32 to index
    %swap3A_32 = arith.constant 0 : index
    %swap3A_33 = tpu.vector_load %arg7[%swap3A_31, %swap3A_32] {strides = array<i32>} : memref<16x44xf32, #tpu.memory_space<vmem>>, vector<16xf32>,
    tpu.vector_store %arg7[%swap3A_31, %swap3A_32], %broadcast_in_dim3A_30 {strides = array<i32>} : memref<16x44xf32, #tpu.memory_space<vmem>>, vector<16xf32>,
    %swap3A_34 = arith.constant 0 : i32
    %swap3A_35 = arith.index_cast %swap3A_34 : i32 to index
    %swap3A_36 = arith.constant 16 : index
    %swap3A_37 = tpu.vector_load %arg7[%swap3A_35, %swap3A_36] {strides = array<i32>} : memref<16x44xf32, #tpu.memory_space<vmem>>, vector<16xf32>,
    tpu.vector_store %arg7[%swap3A_35, %swap3A_36], %broadcast_in_dim3A_30 {strides = array<i32>} : memref<16x44xf32, #tpu.memory_space<vmem>>, vector<16xf32>,
    %swap3A_38 = arith.constant 0 : i32
    %swap3A_39 = arith.index_cast %swap3A_38 : i32 to index
    %swap3A_40 = arith.constant 28 : index
    %swap3A_41 = tpu.vector_load %arg7[%swap3A_39, %swap3A_40] {strides = array<i32>} : memref<16x44xf32, #tpu.memory_space<vmem>>, vector<16xf32>,
    tpu.vector_store %arg7[%swap3A_39, %swap3A_40], %broadcast_in_dim3A_30 {strides = array<i32>} : memref<16x44xf32, #tpu.memory_space<vmem>>, vector<16xf32>,
    %swap3A_42 = arith.constant 1 : i32
    %swap3A_43 = arith.index_cast %swap3A_42 : i32 to index
    %swap3A_44 = arith.constant 0 : index
    %swap3A_45 = tpu.vector_load %arg7[%swap3A_43, %swap3A_44] {strides = array<i32>} : memref<16x44xf32, #tpu.memory_space<vmem>>, vector<16xf32>,
    tpu.vector_store %arg7[%swap3A_43, %swap3A_44], %broadcast_in_dim3A_30 {strides = array<i32>} : memref<16x44xf32, #tpu.memory_space<vmem>>, vector<16xf32>,
    %swap3A_46 = arith.constant 1 : i32
    %swap3A_47 = arith.index_cast %swap3A_46 : i32 to index
    %swap3A_48 = arith.constant 16 : index
    %swap3A_49 = tpu.vector_load %arg7[%swap3A_47, %swap3A_48] {strides = array<i32>} : memref<16x44xf32, #tpu.memory_space<vmem>>, vector<16xf32>,
    tpu.vector_store %arg7[%swap3A_47, %swap3A_48], %broadcast_in_dim3A_30 {strides = array<i32>} : memref<16x44xf32, #tpu.memory_space<vmem>>, vector<16xf32>,
    %swap3A_50 = arith.constant 1 : i32
    %swap3A_51 = arith.index_cast %swap3A_50 : i32 to index
    %swap3A_52 = arith.constant 28 : index
    %swap3A_53 = tpu.vector_load %arg7[%swap3A_51, %swap3A_52] {strides = array<i32>} : memref<16x44xf32, #tpu.memory_space<vmem>>, vector<16xf32>,
    tpu.vector_store %arg7[%swap3A_51, %swap3A_52], %broadcast_in_dim3A_30 {strides = array<i32>} : memref<16x44xf32, #tpu.memory_space<vmem>>, vector<16xf32>,
    %swap3A_54 = arith.constant 2 : i32
    %swap3A_55 = arith.index_cast %swap3A_54 : i32 to index
    %swap3A_56 = arith.constant 0 : index
    %swap3A_57 = tpu.vector_load %arg7[%swap3A_55, %swap3A_56] {strides = array<i32>} : memref<16x44xf32, #tpu.memory_space<vmem>>, vector<16xf32>,
    tpu.vector_store %arg7[%swap3A_55, %swap3A_56], %broadcast_in_dim3A_30 {strides = array<i32>} : memref<16x44xf32, #tpu.memory_space<vmem>>, vector<16xf32>,
    %swap3A_58 = arith.constant 2 : i32
    %swap3A_59 = arith.index_cast %swap3A_58 : i32 to index
    %swap3A_60 = arith.constant 16 : index
    %swap3A_61 = tpu.vector_load %arg7[%swap3A_59, %swap3A_60] {strides = array<i32>} : memref<16x44xf32, #tpu.memory_space<vmem>>, vector<16xf32>,
    tpu.vector_store %arg7[%swap3A_59, %swap3A_60], %broadcast_in_dim3A_30 {strides = array<i32>} : memref<16x44xf32, #tpu.memory_space<vmem>>, vector<16xf32>,
    %swap3A_62 = arith.constant 2 : i32
    %swap3A_63 = arith.index_cast %swap3A_62 : i32 to index
    %swap3A_64 = arith.constant 28 : index
    %swap3A_65 = tpu.vector_load %arg7[%swap3A_63, %swap3A_64] {strides = array<i32>} : memref<16x44xf32, #tpu.memory_space<vmem>>, vector<16xf32>,
    tpu.vector_store %arg7[%swap3A_63, %swap3A_64], %broadcast_in_dim3A_30 {strides = array<i32>} : memref<16x44xf32, #tpu.memory_space<vmem>>, vector<16xf32>,
    %swap3A_66 = arith.constant 3 : i32
    %swap3A_67 = arith.index_cast %swap3A_66 : i32 to index
    %swap3A_68 = arith.constant 0 : index
    %swap3A_69 = tpu.vector_load %arg7[%swap3A_67, %swap3A_68] {strides = array<i32>} : memref<16x44xf32, #tpu.memory_space<vmem>>, vector<16xf32>,
    tpu.vector_store %arg7[%swap3A_67, %swap3A_68], %broadcast_in_dim3A_30 {strides = array<i32>} : memref<16x44xf32, #tpu.memory_space<vmem>>, vector<16xf32>,
    %swap3A_70 = arith.constant 3 : i32
    %swap3A_71 = arith.index_cast %swap3A_70 : i32 to index
    %swap3A_72 = arith.constant 16 : index
    %swap3A_73 = tpu.vector_load %arg7[%swap3A_71, %swap3A_72] {strides = array<i32>} : memref<16x44xf32, #tpu.memory_space<vmem>>, vector<16xf32>,
    tpu.vector_store %arg7[%swap3A_71, %swap3A_72], %broadcast_in_dim3A_30 {strides = array<i32>} : memref<16x44xf32, #tpu.memory_space<vmem>>, vector<16xf32>,
    %swap3A_74 = arith.constant 3 : i32
    %swap3A_75 = arith.index_cast %swap3A_74 : i32 to index
    %swap3A_76 = arith.constant 28 : index
    %swap3A_77 = tpu.vector_load %arg7[%swap3A_75, %swap3A_76] {strides = array<i32>} : memref<16x44xf32, #tpu.memory_space<vmem>>, vector<16xf32>,
    tpu.vector_store %arg7[%swap3A_75, %swap3A_76], %broadcast_in_dim3A_30 {strides = array<i32>} : memref<16x44xf32, #tpu.memory_space<vmem>>, vector<16xf32>,
    %swap3A_78 = arith.constant 4 : i32
    %swap3A_79 = arith.index_cast %swap3A_78 : i32 to index
    %swap3A_80 = arith.constant 0 : index
    %swap3A_81 = tpu.vector_load %arg7[%swap3A_79, %swap3A_80] {strides = array<i32>} : memref<16x44xf32, #tpu.memory_space<vmem>>, vector<16xf32>,
    tpu.vector_store %arg7[%swap3A_79, %swap3A_80], %broadcast_in_dim3A_30 {strides = array<i32>} : memref<16x44xf32, #tpu.memory_space<vmem>>, vector<16xf32>,
    %swap3A_82 = arith.constant 4 : i32
    %swap3A_83 = arith.index_cast %swap3A_82 : i32 to index
    %swap3A_84 = arith.constant 16 : index
    %swap3A_85 = tpu.vector_load %arg7[%swap3A_83, %swap3A_84] {strides = array<i32>} : memref<16x44xf32, #tpu.memory_space<vmem>>, vector<16xf32>,
    tpu.vector_store %arg7[%swap3A_83, %swap3A_84], %broadcast_in_dim3A_30 {strides = array<i32>} : memref<16x44xf32, #tpu.memory_space<vmem>>, vector<16xf32>,
    %swap3A_86 = arith.constant 4 : i32
    %swap3A_87 = arith.index_cast %swap3A_86 : i32 to index
    %swap3A_88 = arith.constant 28 : index
    %swap3A_89 = tpu.vector_load %arg7[%swap3A_87, %swap3A_88] {strides = array<i32>} : memref<16x44xf32, #tpu.memory_space<vmem>>, vector<16xf32>,
    tpu.vector_store %arg7[%swap3A_87, %swap3A_88], %broadcast_in_dim3A_30 {strides = array<i32>} : memref<16x44xf32, #tpu.memory_space<vmem>>, vector<16xf32>,
    %swap3A_90 = arith.constant 5 : i32
    %swap3A_91 = arith.index_cast %swap3A_90 : i32 to index
    %swap3A_92 = arith.constant 0 : index
    %swap3A_93 = tpu.vector_load %arg7[%swap3A_91, %swap3A_92] {strides = array<i32>} : memref<16x44xf32, #tpu.memory_space<vmem>>, vector<16xf32>,
    tpu.vector_store %arg7[%swap3A_91, %swap3A_92], %broadcast_in_dim3A_30 {strides = array<i32>} : memref<16x44xf32, #tpu.memory_space<vmem>>, vector<16xf32>,
    %swap3A_94 = arith.constant 5 : i32
    %swap3A_95 = arith.index_cast %swap3A_94 : i32 to index
    %swap3A_96 = arith.constant 16 : index
    %swap3A_97 = tpu.vector_load %arg7[%swap3A_95, %swap3A_96] {strides = array<i32>} : memref<16x44xf32, #tpu.memory_space<vmem>>, vector<16xf32>,
    tpu.vector_store %arg7[%swap3A_95, %swap3A_96], %broadcast_in_dim3A_30 {strides = array<i32>} : memref<16x44xf32, #tpu.memory_space<vmem>>, vector<16xf32>,
    %swap3A_98 = arith.constant 5 : i32
    %swap3A_99 = arith.index_cast %swap3A_98 : i32 to index
    %swap3A_100 = arith.constant 28 : index
    %swap3A_101 = tpu.vector_load %arg7[%swap3A_99, %swap3A_100] {strides = array<i32>} : memref<16x44xf32, #tpu.memory_space<vmem>>, vector<16xf32>,
    tpu.vector_store %arg7[%swap3A_99, %swap3A_100], %broadcast_in_dim3A_30 {strides = array<i32>} : memref<16x44xf32, #tpu.memory_space<vmem>>, vector<16xf32>,
    %swap3A_102 = arith.constant 6 : i32
    %swap3A_103 = arith.index_cast %swap3A_102 : i32 to index
    %swap3A_104 = arith.constant 0 : index
    %swap3A_105 = tpu.vector_load %arg7[%swap3A_103, %swap3A_104] {strides = array<i32>} : memref<16x44xf32, #tpu.memory_space<vmem>>, vector<16xf32>,
    tpu.vector_store %arg7[%swap3A_103, %swap3A_104], %broadcast_in_dim3A_30 {strides = array<i32>} : memref<16x44xf32, #tpu.memory_space<vmem>>, vector<16xf32>,
    %swap3A_106 = arith.constant 6 : i32
    %swap3A_107 = arith.index_cast %swap3A_106 : i32 to index
    %swap3A_108 = arith.constant 16 : index
    %swap3A_109 = tpu.vector_load %arg7[%swap3A_107, %swap3A_108] {strides = array<i32>} : memref<16x44xf32, #tpu.memory_space<vmem>>, vector<16xf32>,
    tpu.vector_store %arg7[%swap3A_107, %swap3A_108], %broadcast_in_dim3A_30 {strides = array<i32>} : memref<16x44xf32, #tpu.memory_space<vmem>>, vector<16xf32>,
    %swap3A_110 = arith.constant 6 : i32
    %swap3A_111 = arith.index_cast %swap3A_110 : i32 to index
    %swap3A_112 = arith.constant 28 : index
    %swap3A_113 = tpu.vector_load %arg7[%swap3A_111, %swap3A_112] {strides = array<i32>} : memref<16x44xf32, #tpu.memory_space<vmem>>, vector<16xf32>,
    tpu.vector_store %arg7[%swap3A_111, %swap3A_112], %broadcast_in_dim3A_30 {strides = array<i32>} : memref<16x44xf32, #tpu.memory_space<vmem>>, vector<16xf32>,
    %swap3A_114 = arith.constant 7 : i32
    %swap3A_115 = arith.index_cast %swap3A_114 : i32 to index
    %swap3A_116 = arith.constant 0 : index
    %swap3A_117 = tpu.vector_load %arg7[%swap3A_115, %swap3A_116] {strides = array<i32>} : memref<16x44xf32, #tpu.memory_space<vmem>>, vector<16xf32>,
    tpu.vector_store %arg7[%swap3A_115, %swap3A_116], %broadcast_in_dim3A_30 {strides = array<i32>} : memref<16x44xf32, #tpu.memory_space<vmem>>, vector<16xf32>,
    %swap3A_118 = arith.constant 7 : i32
    %swap3A_119 = arith.index_cast %swap3A_118 : i32 to index
    %swap3A_120 = arith.constant 16 : index
    %swap3A_121 = tpu.vector_load %arg7[%swap3A_119, %swap3A_120] {strides = array<i32>} : memref<16x44xf32, #tpu.memory_space<vmem>>, vector<16xf32>,
    tpu.vector_store %arg7[%swap3A_119, %swap3A_120], %broadcast_in_dim3A_30 {strides = array<i32>} : memref<16x44xf32, #tpu.memory_space<vmem>>, vector<16xf32>,
    %swap3A_122 = arith.constant 7 : i32
    %swap3A_123 = arith.index_cast %swap3A_122 : i32 to index
    %swap3A_124 = arith.constant 28 : index
    %swap3A_125 = tpu.vector_load %arg7[%swap3A_123, %swap3A_124] {strides = array<i32>} : memref<16x44xf32, #tpu.memory_space<vmem>>, vector<16xf32>,
    tpu.vector_store %arg7[%swap3A_123, %swap3A_124], %broadcast_in_dim3A_30 {strides = array<i32>} : memref<16x44xf32, #tpu.memory_space<vmem>>, vector<16xf32>,
    %swap3A_126 = arith.constant 8 : i32
    %swap3A_127 = arith.index_cast %swap3A_126 : i32 to index
    %swap3A_128 = arith.constant 0 : index
    %swap3A_129 = tpu.vector_load %arg7[%swap3A_127, %swap3A_128] {strides = array<i32>} : memref<16x44xf32, #tpu.memory_space<vmem>>, vector<16xf32>,
    tpu.vector_store %arg7[%swap3A_127, %swap3A_128], %broadcast_in_dim3A_30 {strides = array<i32>} : memref<16x44xf32, #tpu.memory_space<vmem>>, vector<16xf32>,
    %swap3A_130 = arith.constant 8 : i32
    %swap3A_131 = arith.index_cast %swap3A_130 : i32 to index
    %swap3A_132 = arith.constant 16 : index
    %swap3A_133 = tpu.vector_load %arg7[%swap3A_131, %swap3A_132] {strides = array<i32>} : memref<16x44xf32, #tpu.memory_space<vmem>>, vector<16xf32>,
    tpu.vector_store %arg7[%swap3A_131, %swap3A_132], %broadcast_in_dim3A_30 {strides = array<i32>} : memref<16x44xf32, #tpu.memory_space<vmem>>, vector<16xf32>,
    %swap3A_134 = arith.constant 8 : i32
    %swap3A_135 = arith.index_cast %swap3A_134 : i32 to index
    %swap3A_136 = arith.constant 28 : index
    %swap3A_137 = tpu.vector_load %arg7[%swap3A_135, %swap3A_136] {strides = array<i32>} : memref<16x44xf32, #tpu.memory_space<vmem>>, vector<16xf32>,
    tpu.vector_store %arg7[%swap3A_135, %swap3A_136], %broadcast_in_dim3A_30 {strides = array<i32>} : memref<16x44xf32, #tpu.memory_space<vmem>>, vector<16xf32>,
    %swap3A_138 = arith.constant 9 : i32
    %swap3A_139 = arith.index_cast %swap3A_138 : i32 to index
    %swap3A_140 = arith.constant 0 : index
    %swap3A_141 = tpu.vector_load %arg7[%swap3A_139, %swap3A_140] {strides = array<i32>} : memref<16x44xf32, #tpu.memory_space<vmem>>, vector<16xf32>,
    tpu.vector_store %arg7[%swap3A_139, %swap3A_140], %broadcast_in_dim3A_30 {strides = array<i32>} : memref<16x44xf32, #tpu.memory_space<vmem>>, vector<16xf32>,
    %swap3A_142 = arith.constant 9 : i32
    %swap3A_143 = arith.index_cast %swap3A_142 : i32 to index
    %swap3A_144 = arith.constant 16 : index
    %swap3A_145 = tpu.vector_load %arg7[%swap3A_143, %swap3A_144] {strides = array<i32>} : memref<16x44xf32, #tpu.memory_space<vmem>>, vector<16xf32>,
    tpu.vector_store %arg7[%swap3A_143, %swap3A_144], %broadcast_in_dim3A_30 {strides = array<i32>} : memref<16x44xf32, #tpu.memory_space<vmem>>, vector<16xf32>,
    %swap3A_146 = arith.constant 9 : i32
    %swap3A_147 = arith.index_cast %swap3A_146 : i32 to index
    %swap3A_148 = arith.constant 28 : index
    %swap3A_149 = tpu.vector_load %arg7[%swap3A_147, %swap3A_148] {strides = array<i32>} : memref<16x44xf32, #tpu.memory_space<vmem>>, vector<16xf32>,
    tpu.vector_store %arg7[%swap3A_147, %swap3A_148], %broadcast_in_dim3A_30 {strides = array<i32>} : memref<16x44xf32, #tpu.memory_space<vmem>>, vector<16xf32>,
    %swap3A_150 = arith.constant 10 : i32
    %swap3A_151 = arith.index_cast %swap3A_150 : i32 to index
    %swap3A_152 = arith.constant 0 : index
    %swap3A_153 = tpu.vector_load %arg7[%swap3A_151, %swap3A_152] {strides = array<i32>} : memref<16x44xf32, #tpu.memory_space<vmem>>, vector<16xf32>,
    tpu.vector_store %arg7[%swap3A_151, %swap3A_152], %broadcast_in_dim3A_30 {strides = array<i32>} : memref<16x44xf32, #tpu.memory_space<vmem>>, vector<16xf32>,
    %swap3A_154 = arith.constant 10 : i32
    %swap3A_155 = arith.index_cast %swap3A_154 : i32 to index
    %swap3A_156 = arith.constant 16 : index
    %swap3A_157 = tpu.vector_load %arg7[%swap3A_155, %swap3A_156] {strides = array<i32>} : memref<16x44xf32, #tpu.memory_space<vmem>>, vector<16xf32>,
    tpu.vector_store %arg7[%swap3A_155, %swap3A_156], %broadcast_in_dim3A_30 {strides = array<i32>} : memref<16x44xf32, #tpu.memory_space<vmem>>, vector<16xf32>,
    %swap3A_158 = arith.constant 10 : i32
    %swap3A_159 = arith.index_cast %swap3A_158 : i32 to index
    %swap3A_160 = arith.constant 28 : index
    %swap3A_161 = tpu.vector_load %arg7[%swap3A_159, %swap3A_160] {strides = array<i32>} : memref<16x44xf32, #tpu.memory_space<vmem>>, vector<16xf32>,
    tpu.vector_store %arg7[%swap3A_159, %swap3A_160], %broadcast_in_dim3A_30 {strides = array<i32>} : memref<16x44xf32, #tpu.memory_space<vmem>>, vector<16xf32>,
    %swap3A_162 = arith.constant 11 : i32
    %swap3A_163 = arith.index_cast %swap3A_162 : i32 to index
    %swap3A_164 = arith.constant 0 : index
    %swap3A_165 = tpu.vector_load %arg7[%swap3A_163, %swap3A_164] {strides = array<i32>} : memref<16x44xf32, #tpu.memory_space<vmem>>, vector<16xf32>,
    tpu.vector_store %arg7[%swap3A_163, %swap3A_164], %broadcast_in_dim3A_30 {strides = array<i32>} : memref<16x44xf32, #tpu.memory_space<vmem>>, vector<16xf32>,
    %swap3A_166 = arith.constant 11 : i32
    %swap3A_167 = arith.index_cast %swap3A_166 : i32 to index
    %swap3A_168 = arith.constant 16 : index
    %swap3A_169 = tpu.vector_load %arg7[%swap3A_167, %swap3A_168] {strides = array<i32>} : memref<16x44xf32, #tpu.memory_space<vmem>>, vector<16xf32>,
    tpu.vector_store %arg7[%swap3A_167, %swap3A_168], %broadcast_in_dim3A_30 {strides = array<i32>} : memref<16x44xf32, #tpu.memory_space<vmem>>, vector<16xf32>,
    %swap3A_170 = arith.constant 11 : i32
    %swap3A_171 = arith.index_cast %swap3A_170 : i32 to index
    %swap3A_172 = arith.constant 28 : index
    %swap3A_173 = tpu.vector_load %arg7[%swap3A_171, %swap3A_172] {strides = array<i32>} : memref<16x44xf32, #tpu.memory_space<vmem>>, vector<16xf32>,
    tpu.vector_store %arg7[%swap3A_171, %swap3A_172], %broadcast_in_dim3A_30 {strides = array<i32>} : memref<16x44xf32, #tpu.memory_space<vmem>>, vector<16xf32>,
    %swap3A_174 = arith.constant 12 : i32
    %swap3A_175 = arith.index_cast %swap3A_174 : i32 to index
    %swap3A_176 = arith.constant 0 : index
    %swap3A_177 = tpu.vector_load %arg7[%swap3A_175, %swap3A_176] {strides = array<i32>} : memref<16x44xf32, #tpu.memory_space<vmem>>, vector<16xf32>,
    tpu.vector_store %arg7[%swap3A_175, %swap3A_176], %broadcast_in_dim3A_30 {strides = array<i32>} : memref<16x44xf32, #tpu.memory_space<vmem>>, vector<16xf32>,
    %swap3A_178 = arith.constant 12 : i32
    %swap3A_179 = arith.index_cast %swap3A_178 : i32 to index
    %swap3A_180 = arith.constant 16 : index
    %swap3A_181 = tpu.vector_load %arg7[%swap3A_179, %swap3A_180] {strides = array<i32>} : memref<16x44xf32, #tpu.memory_space<vmem>>, vector<16xf32>,
    tpu.vector_store %arg7[%swap3A_179, %swap3A_180], %broadcast_in_dim3A_30 {strides = array<i32>} : memref<16x44xf32, #tpu.memory_space<vmem>>, vector<16xf32>,
    %swap3A_182 = arith.constant 12 : i32
    %swap3A_183 = arith.index_cast %swap3A_182 : i32 to index
    %swap3A_184 = arith.constant 28 : index
    %swap3A_185 = tpu.vector_load %arg7[%swap3A_183, %swap3A_184] {strides = array<i32>} : memref<16x44xf32, #tpu.memory_space<vmem>>, vector<16xf32>,
    tpu.vector_store %arg7[%swap3A_183, %swap3A_184], %broadcast_in_dim3A_30 {strides = array<i32>} : memref<16x44xf32, #tpu.memory_space<vmem>>, vector<16xf32>,
    %swap3A_186 = arith.constant 13 : i32
    %swap3A_187 = arith.index_cast %swap3A_186 : i32 to index
    %swap3A_188 = arith.constant 0 : index
    %swap3A_189 = tpu.vector_load %arg7[%swap3A_187, %swap3A_188] {strides = array<i32>} : memref<16x44xf32, #tpu.memory_space<vmem>>, vector<16xf32>,
    tpu.vector_store %arg7[%swap3A_187, %swap3A_188], %broadcast_in_dim3A_30 {strides = array<i32>} : memref<16x44xf32, #tpu.memory_space<vmem>>, vector<16xf32>,
    %swap3A_190 = arith.constant 13 : i32
    %swap3A_191 = arith.index_cast %swap3A_190 : i32 to index
    %swap3A_192 = arith.constant 16 : index
    %swap3A_193 = tpu.vector_load %arg7[%swap3A_191, %swap3A_192] {strides = array<i32>} : memref<16x44xf32, #tpu.memory_space<vmem>>, vector<16xf32>,
    tpu.vector_store %arg7[%swap3A_191, %swap3A_192], %broadcast_in_dim3A_30 {strides = array<i32>} : memref<16x44xf32, #tpu.memory_space<vmem>>, vector<16xf32>,
    %swap3A_194 = arith.constant 13 : i32
    %swap3A_195 = arith.index_cast %swap3A_194 : i32 to index
    %swap3A_196 = arith.constant 28 : index
    %swap3A_197 = tpu.vector_load %arg7[%swap3A_195, %swap3A_196] {strides = array<i32>} : memref<16x44xf32, #tpu.memory_space<vmem>>, vector<16xf32>,
    tpu.vector_store %arg7[%swap3A_195, %swap3A_196], %broadcast_in_dim3A_30 {strides = array<i32>} : memref<16x44xf32, #tpu.memory_space<vmem>>, vector<16xf32>,
    %swap3A_198 = arith.constant 14 : i32
    %swap3A_199 = arith.index_cast %swap3A_198 : i32 to index
    %swap3A_200 = arith.constant 0 : index
    %swap3A_201 = tpu.vector_load %arg7[%swap3A_199, %swap3A_200] {strides = array<i32>} : memref<16x44xf32, #tpu.memory_space<vmem>>, vector<16xf32>,
    tpu.vector_store %arg7[%swap3A_199, %swap3A_200], %broadcast_in_dim3A_30 {strides = array<i32>} : memref<16x44xf32, #tpu.memory_space<vmem>>, vector<16xf32>,
    %swap3A_202 = arith.constant 14 : i32
    %swap3A_203 = arith.index_cast %swap3A_202 : i32 to index
    %swap3A_204 = arith.constant 16 : index
    %swap3A_205 = tpu.vector_load %arg7[%swap3A_203, %swap3A_204] {strides = array<i32>} : memref<16x44xf32, #tpu.memory_space<vmem>>, vector<16xf32>,
    tpu.vector_store %arg7[%swap3A_203, %swap3A_204], %broadcast_in_dim3A_30 {strides = array<i32>} : memref<16x44xf32, #tpu.memory_space<vmem>>, vector<16xf32>,
    %swap3A_206 = arith.constant 14 : i32
    %swap3A_207 = arith.index_cast %swap3A_206 : i32 to index
    %swap3A_208 = arith.constant 28 : index
    %swap3A_209 = tpu.vector_load %arg7[%swap3A_207, %swap3A_208] {strides = array<i32>} : memref<16x44xf32, #tpu.memory_space<vmem>>, vector<16xf32>,
    tpu.vector_store %arg7[%swap3A_207, %swap3A_208], %broadcast_in_dim3A_30 {strides = array<i32>} : memref<16x44xf32, #tpu.memory_space<vmem>>, vector<16xf32>,
    %swap3A_210 = arith.constant 15 : i32
    %swap3A_211 = arith.index_cast %swap3A_210 : i32 to index
    %swap3A_212 = arith.constant 0 : index
    %swap3A_213 = tpu.vector_load %arg7[%swap3A_211, %swap3A_212] {strides = array<i32>} : memref<16x44xf32, #tpu.memory_space<vmem>>, vector<16xf32>,
    tpu.vector_store %arg7[%swap3A_211, %swap3A_212], %broadcast_in_dim3A_30 {strides = array<i32>} : memref<16x44xf32, #tpu.memory_space<vmem>>, vector<16xf32>,
    %swap3A_214 = arith.constant 15 : i32
    %swap3A_215 = arith.index_cast %swap3A_214 : i32 to index
    %swap3A_216 = arith.constant 16 : index
    %swap3A_217 = tpu.vector_load %arg7[%swap3A_215, %swap3A_216] {strides = array<i32>} : memref<16x44xf32, #tpu.memory_space<vmem>>, vector<16xf32>,
    tpu.vector_store %arg7[%swap3A_215, %swap3A_216], %broadcast_in_dim3A_30 {strides = array<i32>} : memref<16x44xf32, #tpu.memory_space<vmem>>, vector<16xf32>,
    %swap3A_218 = arith.constant 15 : i32
    %swap3A_219 = arith.index_cast %swap3A_218 : i32 to index
    %swap3A_220 = arith.constant 28 : index
    %swap3A_221 = tpu.vector_load %arg7[%swap3A_219, %swap3A_220] {strides = array<i32>} : memref<16x44xf32, #tpu.memory_space<vmem>>, vector<16xf32>,
    tpu.vector_store %arg7[%swap3A_219, %swap3A_220], %broadcast_in_dim3A_30 {strides = array<i32>} : memref<16x44xf32, #tpu.memory_space<vmem>>, vector<16xf32>,
    %add3A_222 = arith.constant 1 : i32
    %add3A_223 = arith.addi %select_n3A, %add3A_222 : i32
    %jit3A_224 = arith.constant 2 : i32
    %div3A_225 = arith.divsi %add3A_223, %jit3A_224 : i32
    %sign3A_226 = arith.constant 0 : i32
    %sign3A_227 = arith.cmpi sgt, %add3A_223, %sign3A_226 : i32
    %sign3A_228 = arith.extui %sign3A_227 : i1 to i32
    %sign3A_229 = arith.constant 0 : i32
    %sign3A_230 = arith.cmpi slt, %add3A_223, %sign3A_229 : i32
    %sign3A_231 = arith.extui %sign3A_230 : i1 to i32
    %sign3A_232 = arith.subi %sign3A_228, %sign3A_231 : i32
    %sign3A_233 = arith.constant 0 : i32
    %sign3A_234 = arith.cmpi sgt, %jit3A_224, %sign3A_233 : i32
    %sign3A_235 = arith.extui %sign3A_234 : i1 to i32
    %sign3A_236 = arith.constant 0 : i32
    %sign3A_237 = arith.cmpi slt, %jit3A_224, %sign3A_236 : i32
    %sign3A_238 = arith.extui %sign3A_237 : i1 to i32
    %sign3A_239 = arith.subi %sign3A_235, %sign3A_238 : i32
    %ne3A_240 = arith.cmpi ne, %sign3A_232, %sign3A_239 : i32
    %rem3A_241 = arith.remsi %add3A_223, %jit3A_224 : i32
    %ne3A_242 = arith.constant 0 : i32
    %ne3A_243 = arith.cmpi ne, %rem3A_241, %ne3A_242 : i32
    %and3A_244 = arith.andi %ne3A_240, %ne3A_243 : i1
    %sub3A_245 = arith.constant 1 : i32
    %sub3A_246 = arith.subi %div3A_225, %sub3A_245 : i32
    %select_n3A_247 = arith.select %and3A_244, %sub3A_246, %div3A_225 : i32
    %sub3A_248 = arith.constant 0 : i32
    %sub3A_249 = arith.subi %select_n3A_247, %sub3A_248 : i32
    %sub3A_250 = arith.constant 1 : i32
    %sub3A_251 = arith.constant 1 : i32
    %sub3A_252 = arith.subi %sub3A_250, %sub3A_251 : i32
    %add3A_253 = arith.addi %sub3A_249, %sub3A_252 : i32
    %div3A_254 = arith.constant 1 : i32
    %div3A_255 = arith.divsi %add3A_253, %div3A_254 : i32
    %while3A = arith.constant 1 : i32
    %while3A_256 = arith.constant 0 : i32
    %while3A_257 = arith.constant 0 : i32
    %while3A_258 = arith.subi %div3A_255, %while3A_257 : i32
    %while3A_259 = arith.addi %while3A_257, %while3A_258 : i32
    %while3A_260 = arith.constant 1 : i32
    %while3A_261 = arith.divsi %while3A_258, %while3A_260 : i32
    %while3A_262 = arith.muli %while3A_261, %while3A_260 : i32
    %while3A_263 = arith.addi %while3A_257, %while3A_262 : i32
    %while3A_264 = arith.constant 1 : i32
    scf.for %while3A_268 = %while3A_257 to %while3A_263 step %while3A_264  : i32 {
      %mul3A_269 = arith.muli %while3A_268, %while3A : i32
      %add3A_270 = arith.addi %while3A_256, %mul3A_269 : i32
      %mul3A_271 = arith.constant 2 : i32
      %mul3A_272 = arith.muli %add3A_270, %mul3A_271 : i32
      %lt3A = arith.cmpi slt, %mul3A_272, %select_n3A : i32
      %convert_element_type3A_273 = arith.extui %lt3A : i1 to i32
      %cond3A_274 = arith.constant 0 : i32
      %cond3A_275 = arith.cmpi ne, %convert_element_type3A_273, %cond3A_274 : i32
      scf.if %cond3A_275 {
        %dma_wait3A = arith.constant 0 : i32
        %dma_wait3A_282 = tpu.memref_slice %arg5[%dma_wait3A] : memref<16000xf32, #tpu.memory_space<vmem>> -> memref<8000xf32, #tpu.memory_space<vmem>>
        %dma_wait3A_283 = arith.constant 0 : i32
        %dma_wait3A_284 = tpu.memref_slice %arg2[%dma_wait3A_283] : memref<2000000xf32, #tpu.memory_space<hbm>> -> memref<8000xf32, #tpu.memory_space<hbm>>
        %dma_wait3A_285 = arith.constant 0 : i32
        %dma_wait3A_286 = tpu.memref_slice %arg5[%dma_wait3A_285] : memref<16000xf32, #tpu.memory_space<vmem>> -> memref<8000xf32, #tpu.memory_space<vmem>>
        %dma_wait3A_287 = arith.constant 0 : i32
        %dma_wait3A_288 = tpu.memref_slice %arg2[%dma_wait3A_287] : memref<2000000xf32, #tpu.memory_space<hbm>> -> memref<8000xf32, #tpu.memory_space<hbm>>
        tpu.wait_dma2 semaphore(%arg8 : memref<!tpu.dma_semaphore, #tpu.memory_space<semaphore_mem>>) src(%dma_wait3A_288 : memref<8000xf32, #tpu.memory_space<hbm>>) dst(%dma_wait3A_286 : memref<8000xf32, #tpu.memory_space<vmem>>)
        %dma_wait3A_289 = arith.constant 0 : i32
        %dma_wait3A_290 = tpu.memref_slice %arg6[%dma_wait3A_289] : memref<16000xi32, #tpu.memory_space<vmem>> -> memref<8000xi32, #tpu.memory_space<vmem>>
        %dma_wait3A_291 = arith.constant 0 : i32
        %dma_wait3A_292 = tpu.memref_slice %arg3[%dma_wait3A_291] : memref<2000000xi32, #tpu.memory_space<hbm>> -> memref<8000xi32, #tpu.memory_space<hbm>>
        %dma_wait3A_293 = arith.constant 0 : i32
        %dma_wait3A_294 = tpu.memref_slice %arg6[%dma_wait3A_293] : memref<16000xi32, #tpu.memory_space<vmem>> -> memref<8000xi32, #tpu.memory_space<vmem>>
        %dma_wait3A_295 = arith.constant 0 : i32
        %dma_wait3A_296 = tpu.memref_slice %arg3[%dma_wait3A_295] : memref<2000000xi32, #tpu.memory_space<hbm>> -> memref<8000xi32, #tpu.memory_space<hbm>>
        tpu.wait_dma2 semaphore(%arg10 : memref<!tpu.dma_semaphore, #tpu.memory_space<semaphore_mem>>) src(%dma_wait3A_296 : memref<8000xi32, #tpu.memory_space<hbm>>) dst(%dma_wait3A_294 : memref<8000xi32, #tpu.memory_space<vmem>>)
        %parallel_loop3A = arith.constant 0 : i32
        %parallel_loop3A_297 = arith.constant 500 : i32
        %parallel_loop3A_298 = arith.constant 1 : i32
        scf.for %parallel_loop3A_305 = %parallel_loop3A to %parallel_loop3A_297 step %parallel_loop3A_298  : i32 {
          %parallel_loop3A_306 = arith.constant 16 : i32
          %parallel_loop3A_307 = arith.muli %parallel_loop3A_305, %parallel_loop3A_306 : i32
          %parallel_loop3A_308 = arith.constant 0 : i32
          %parallel_loop3A_309 = arith.addi %parallel_loop3A_308, %parallel_loop3A_307 : i32
          %parallel_loop3A_310 = arith.index_cast %parallel_loop3A_309 : i32 to index
          %parallel_loop3A_311 = tpu.vector_load %arg5[%parallel_loop3A_310] {strides = array<i32>} : memref<16000xf32, #tpu.memory_space<vmem>>, vector<16xf32>,
          %parallel_loop3A_312 = arith.index_cast %parallel_loop3A_309 : i32 to index
          %parallel_loop3A_313 = tpu.vector_load %arg6[%parallel_loop3A_312] {strides = array<i32>} : memref<16000xi32, #tpu.memory_space<vmem>>, vector<16xi32>,
          %parallel_loop3A_314 = arith.constant 2.000000e+01 : f32
          %parallel_loop3A_315 = vector.broadcast %parallel_loop3A_314 : f32 to vector<16xf32>
          %parallel_loop3A_316 = arith.mulf %parallel_loop3A_311, %parallel_loop3A_315 : vector<16xf32>
          %parallel_loop3A_317 = arith.fptosi %parallel_loop3A_316 : vector<16xf32> to vector<16xi32>
          %parallel_loop3A_318 = arith.sitofp %parallel_loop3A_317 : vector<16xi32> to vector<16xf32>
          %parallel_loop3A_319 = arith.subf %parallel_loop3A_316, %parallel_loop3A_318 : vector<16xf32>
          %parallel_loop3A_320 = arith.constant 22 : i32
          %parallel_loop3A_321 = vector.broadcast %parallel_loop3A_320 : i32 to vector<16xi32>
          %parallel_loop3A_322 = arith.muli %parallel_loop3A_313, %parallel_loop3A_321 : vector<16xi32>
          %parallel_loop3A_323 = arith.addi %parallel_loop3A_322, %parallel_loop3A_317 : vector<16xi32>
          %parallel_loop3A_324 = arith.constant 1.000000e+00 : f32
          %parallel_loop3A_325 = vector.broadcast %parallel_loop3A_324 : f32 to vector<16xf32>
          %parallel_loop3A_326 = arith.subf %parallel_loop3A_325, %parallel_loop3A_319 : vector<16xf32>
          tpu.vector_store_idx %arg7[%iota3A, %parallel_loop3A_323], %parallel_loop3A_326 {add = true} : memref<16x44xf32, #tpu.memory_space<vmem>>[vector<16xi32>, vector<16xi32>], vector<16xf32>,
          %parallel_loop3A_327 = arith.constant 1 : i32
          %parallel_loop3A_328 = vector.broadcast %parallel_loop3A_327 : i32 to vector<16xi32>
          %parallel_loop3A_329 = arith.addi %parallel_loop3A_323, %parallel_loop3A_328 : vector<16xi32>
          tpu.vector_store_idx %arg7[%iota3A, %parallel_loop3A_329], %parallel_loop3A_319 {add = true} : memref<16x44xf32, #tpu.memory_space<vmem>>[vector<16xi32>, vector<16xi32>], vector<16xf32>,
        } {sc.loop_unroll_factor = 8 : i64, sc.parallel_access}
        %add3A_299 = arith.constant 2 : i32
        %add3A_300 = arith.addi %mul3A_272, %add3A_299 : i32
        %lt3A_301 = arith.cmpi slt, %add3A_300, %select_n3A : i32
        %convert_element_type3A_302 = arith.extui %lt3A_301 : i1 to i32
        %cond3A_303 = arith.constant 0 : i32
        %cond3A_304 = arith.cmpi ne, %convert_element_type3A_302, %cond3A_303 : i32
        scf.if %cond3A_304 {
          %mul3A_305 = arith.constant 32 : i32
          %mul3A_306 = arith.muli %add3A_300, %mul3A_305 : i32
          %add3A_307 = arith.addi %add3A, %mul3A_306 : i32
          %mul3A_308 = arith.constant 8000 : i32
          %mul3A_309 = arith.muli %add3A_307, %mul3A_308 : i32
          %dma_start3A = arith.constant 0 : i32
          %dma_start3A_310 = tpu.memref_slice %arg5[%dma_start3A] : memref<16000xf32, #tpu.memory_space<vmem>> -> memref<8000xf32, #tpu.memory_space<vmem>>
          %dma_start3A_311 = tpu.memref_slice %arg2[%mul3A_309] : memref<2000000xf32, #tpu.memory_space<hbm>> -> memref<8000xf32, #tpu.memory_space<hbm>>
          %dma_start3A_312 = arith.constant 0 : i32
          %dma_start3A_313 = tpu.memref_slice %arg5[%dma_start3A_312] : memref<16000xf32, #tpu.memory_space<vmem>> -> memref<8000xf32, #tpu.memory_space<vmem>>
          %dma_start3A_314 = tpu.memref_slice %arg2[%mul3A_309] : memref<2000000xf32, #tpu.memory_space<hbm>> -> memref<8000xf32, #tpu.memory_space<hbm>>
          tpu.enqueue_dma source(%dma_start3A_314 : memref<8000xf32, #tpu.memory_space<hbm>>) target(%dma_start3A_313 : memref<8000xf32, #tpu.memory_space<vmem>>) target_semaphore(%arg8 : memref<!tpu.dma_semaphore, #tpu.memory_space<semaphore_mem>>)
          %dma_start3A_315 = arith.constant 0 : i32
          %dma_start3A_316 = tpu.memref_slice %arg6[%dma_start3A_315] : memref<16000xi32, #tpu.memory_space<vmem>> -> memref<8000xi32, #tpu.memory_space<vmem>>
          %dma_start3A_317 = tpu.memref_slice %arg3[%mul3A_309] : memref<2000000xi32, #tpu.memory_space<hbm>> -> memref<8000xi32, #tpu.memory_space<hbm>>
          %dma_start3A_318 = arith.constant 0 : i32
          %dma_start3A_319 = tpu.memref_slice %arg6[%dma_start3A_318] : memref<16000xi32, #tpu.memory_space<vmem>> -> memref<8000xi32, #tpu.memory_space<vmem>>
          %dma_start3A_320 = tpu.memref_slice %arg3[%mul3A_309] : memref<2000000xi32, #tpu.memory_space<hbm>> -> memref<8000xi32, #tpu.memory_space<hbm>>
          tpu.enqueue_dma source(%dma_start3A_320 : memref<8000xi32, #tpu.memory_space<hbm>>) target(%dma_start3A_319 : memref<8000xi32, #tpu.memory_space<vmem>>) target_semaphore(%arg10 : memref<!tpu.dma_semaphore, #tpu.memory_space<semaphore_mem>>)
        } else {
        }
      } else {
      }
      %add3A_276 = arith.constant 1 : i32
      %add3A_277 = arith.addi %mul3A_272, %add3A_276 : i32
      %lt3A_278 = arith.cmpi slt, %add3A_277, %select_n3A : i32
      %convert_element_type3A_279 = arith.extui %lt3A_278 : i1 to i32
      %cond3A_280 = arith.constant 0 : i32
      %cond3A_281 = arith.cmpi ne, %convert_element_type3A_279, %cond3A_280 : i32
      scf.if %cond3A_281 {
        %dma_wait3A = arith.constant 8000 : i32
        %dma_wait3A_282 = tpu.memref_slice %arg5[%dma_wait3A] : memref<16000xf32, #tpu.memory_space<vmem>> -> memref<8000xf32, #tpu.memory_space<vmem>>
        %dma_wait3A_283 = arith.constant 0 : i32
        %dma_wait3A_284 = tpu.memref_slice %arg2[%dma_wait3A_283] : memref<2000000xf32, #tpu.memory_space<hbm>> -> memref<8000xf32, #tpu.memory_space<hbm>>
        %dma_wait3A_285 = arith.constant 8000 : i32
        %dma_wait3A_286 = tpu.memref_slice %arg5[%dma_wait3A_285] : memref<16000xf32, #tpu.memory_space<vmem>> -> memref<8000xf32, #tpu.memory_space<vmem>>
        %dma_wait3A_287 = arith.constant 0 : i32
        %dma_wait3A_288 = tpu.memref_slice %arg2[%dma_wait3A_287] : memref<2000000xf32, #tpu.memory_space<hbm>> -> memref<8000xf32, #tpu.memory_space<hbm>>
        tpu.wait_dma2 semaphore(%arg9 : memref<!tpu.dma_semaphore, #tpu.memory_space<semaphore_mem>>) src(%dma_wait3A_288 : memref<8000xf32, #tpu.memory_space<hbm>>) dst(%dma_wait3A_286 : memref<8000xf32, #tpu.memory_space<vmem>>)
        %dma_wait3A_289 = arith.constant 8000 : i32
        %dma_wait3A_290 = tpu.memref_slice %arg6[%dma_wait3A_289] : memref<16000xi32, #tpu.memory_space<vmem>> -> memref<8000xi32, #tpu.memory_space<vmem>>
        %dma_wait3A_291 = arith.constant 0 : i32
        %dma_wait3A_292 = tpu.memref_slice %arg3[%dma_wait3A_291] : memref<2000000xi32, #tpu.memory_space<hbm>> -> memref<8000xi32, #tpu.memory_space<hbm>>
        %dma_wait3A_293 = arith.constant 8000 : i32
        %dma_wait3A_294 = tpu.memref_slice %arg6[%dma_wait3A_293] : memref<16000xi32, #tpu.memory_space<vmem>> -> memref<8000xi32, #tpu.memory_space<vmem>>
        %dma_wait3A_295 = arith.constant 0 : i32
        %dma_wait3A_296 = tpu.memref_slice %arg3[%dma_wait3A_295] : memref<2000000xi32, #tpu.memory_space<hbm>> -> memref<8000xi32, #tpu.memory_space<hbm>>
        tpu.wait_dma2 semaphore(%arg11 : memref<!tpu.dma_semaphore, #tpu.memory_space<semaphore_mem>>) src(%dma_wait3A_296 : memref<8000xi32, #tpu.memory_space<hbm>>) dst(%dma_wait3A_294 : memref<8000xi32, #tpu.memory_space<vmem>>)
        %parallel_loop3A = arith.constant 0 : i32
        %parallel_loop3A_297 = arith.constant 500 : i32
        %parallel_loop3A_298 = arith.constant 1 : i32
        scf.for %parallel_loop3A_305 = %parallel_loop3A to %parallel_loop3A_297 step %parallel_loop3A_298  : i32 {
          %parallel_loop3A_306 = arith.constant 16 : i32
          %parallel_loop3A_307 = arith.muli %parallel_loop3A_305, %parallel_loop3A_306 : i32
          %parallel_loop3A_308 = arith.constant 8000 : i32
          %parallel_loop3A_309 = arith.addi %parallel_loop3A_308, %parallel_loop3A_307 : i32
          %parallel_loop3A_310 = arith.index_cast %parallel_loop3A_309 : i32 to index
          %parallel_loop3A_311 = tpu.vector_load %arg5[%parallel_loop3A_310] {strides = array<i32>} : memref<16000xf32, #tpu.memory_space<vmem>>, vector<16xf32>,
          %parallel_loop3A_312 = arith.index_cast %parallel_loop3A_309 : i32 to index
          %parallel_loop3A_313 = tpu.vector_load %arg6[%parallel_loop3A_312] {strides = array<i32>} : memref<16000xi32, #tpu.memory_space<vmem>>, vector<16xi32>,
          %parallel_loop3A_314 = arith.constant 2.000000e+01 : f32
          %parallel_loop3A_315 = vector.broadcast %parallel_loop3A_314 : f32 to vector<16xf32>
          %parallel_loop3A_316 = arith.mulf %parallel_loop3A_311, %parallel_loop3A_315 : vector<16xf32>
          %parallel_loop3A_317 = arith.fptosi %parallel_loop3A_316 : vector<16xf32> to vector<16xi32>
          %parallel_loop3A_318 = arith.sitofp %parallel_loop3A_317 : vector<16xi32> to vector<16xf32>
          %parallel_loop3A_319 = arith.subf %parallel_loop3A_316, %parallel_loop3A_318 : vector<16xf32>
          %parallel_loop3A_320 = arith.constant 22 : i32
          %parallel_loop3A_321 = vector.broadcast %parallel_loop3A_320 : i32 to vector<16xi32>
          %parallel_loop3A_322 = arith.muli %parallel_loop3A_313, %parallel_loop3A_321 : vector<16xi32>
          %parallel_loop3A_323 = arith.addi %parallel_loop3A_322, %parallel_loop3A_317 : vector<16xi32>
          %parallel_loop3A_324 = arith.constant 1.000000e+00 : f32
          %parallel_loop3A_325 = vector.broadcast %parallel_loop3A_324 : f32 to vector<16xf32>
          %parallel_loop3A_326 = arith.subf %parallel_loop3A_325, %parallel_loop3A_319 : vector<16xf32>
          tpu.vector_store_idx %arg7[%iota3A, %parallel_loop3A_323], %parallel_loop3A_326 {add = true} : memref<16x44xf32, #tpu.memory_space<vmem>>[vector<16xi32>, vector<16xi32>], vector<16xf32>,
          %parallel_loop3A_327 = arith.constant 1 : i32
          %parallel_loop3A_328 = vector.broadcast %parallel_loop3A_327 : i32 to vector<16xi32>
          %parallel_loop3A_329 = arith.addi %parallel_loop3A_323, %parallel_loop3A_328 : vector<16xi32>
          tpu.vector_store_idx %arg7[%iota3A, %parallel_loop3A_329], %parallel_loop3A_319 {add = true} : memref<16x44xf32, #tpu.memory_space<vmem>>[vector<16xi32>, vector<16xi32>], vector<16xf32>,
        } {sc.loop_unroll_factor = 8 : i64, sc.parallel_access}
        %add3A_299 = arith.constant 2 : i32
        %add3A_300 = arith.addi %add3A_277, %add3A_299 : i32
        %lt3A_301 = arith.cmpi slt, %add3A_300, %select_n3A : i32
        %convert_element_type3A_302 = arith.extui %lt3A_301 : i1 to i32
        %cond3A_303 = arith.constant 0 : i32
        %cond3A_304 = arith.cmpi ne, %convert_element_type3A_302, %cond3A_303 : i32
        scf.if %cond3A_304 {
          %mul3A_305 = arith.constant 32 : i32
          %mul3A_306 = arith.muli %add3A_300, %mul3A_305 : i32
          %add3A_307 = arith.addi %add3A, %mul3A_306 : i32
          %mul3A_308 = arith.constant 8000 : i32
          %mul3A_309 = arith.muli %add3A_307, %mul3A_308 : i32
          %dma_start3A = arith.constant 8000 : i32
          %dma_start3A_310 = tpu.memref_slice %arg5[%dma_start3A] : memref<16000xf32, #tpu.memory_space<vmem>> -> memref<8000xf32, #tpu.memory_space<vmem>>
          %dma_start3A_311 = tpu.memref_slice %arg2[%mul3A_309] : memref<2000000xf32, #tpu.memory_space<hbm>> -> memref<8000xf32, #tpu.memory_space<hbm>>
          %dma_start3A_312 = arith.constant 8000 : i32
          %dma_start3A_313 = tpu.memref_slice %arg5[%dma_start3A_312] : memref<16000xf32, #tpu.memory_space<vmem>> -> memref<8000xf32, #tpu.memory_space<vmem>>
          %dma_start3A_314 = tpu.memref_slice %arg2[%mul3A_309] : memref<2000000xf32, #tpu.memory_space<hbm>> -> memref<8000xf32, #tpu.memory_space<hbm>>
          tpu.enqueue_dma source(%dma_start3A_314 : memref<8000xf32, #tpu.memory_space<hbm>>) target(%dma_start3A_313 : memref<8000xf32, #tpu.memory_space<vmem>>) target_semaphore(%arg9 : memref<!tpu.dma_semaphore, #tpu.memory_space<semaphore_mem>>)
          %dma_start3A_315 = arith.constant 8000 : i32
          %dma_start3A_316 = tpu.memref_slice %arg6[%dma_start3A_315] : memref<16000xi32, #tpu.memory_space<vmem>> -> memref<8000xi32, #tpu.memory_space<vmem>>
          %dma_start3A_317 = tpu.memref_slice %arg3[%mul3A_309] : memref<2000000xi32, #tpu.memory_space<hbm>> -> memref<8000xi32, #tpu.memory_space<hbm>>
          %dma_start3A_318 = arith.constant 8000 : i32
          %dma_start3A_319 = tpu.memref_slice %arg6[%dma_start3A_318] : memref<16000xi32, #tpu.memory_space<vmem>> -> memref<8000xi32, #tpu.memory_space<vmem>>
          %dma_start3A_320 = tpu.memref_slice %arg3[%mul3A_309] : memref<2000000xi32, #tpu.memory_space<hbm>> -> memref<8000xi32, #tpu.memory_space<hbm>>
          tpu.enqueue_dma source(%dma_start3A_320 : memref<8000xi32, #tpu.memory_space<hbm>>) target(%dma_start3A_319 : memref<8000xi32, #tpu.memory_space<vmem>>) target_semaphore(%arg11 : memref<!tpu.dma_semaphore, #tpu.memory_space<semaphore_mem>>)
        } else {
        }
      } else {
      }
    }
    %while3A_265 = arith.constant 1 : i32
    scf.for %while3A_268 = %while3A_263 to %while3A_259 step %while3A_265  : i32 {
      %mul3A_269 = arith.muli %while3A_268, %while3A : i32
      %add3A_270 = arith.addi %while3A_256, %mul3A_269 : i32
      %mul3A_271 = arith.constant 2 : i32
      %mul3A_272 = arith.muli %add3A_270, %mul3A_271 : i32
      %lt3A = arith.cmpi slt, %mul3A_272, %select_n3A : i32
      %convert_element_type3A_273 = arith.extui %lt3A : i1 to i32
      %cond3A_274 = arith.constant 0 : i32
      %cond3A_275 = arith.cmpi ne, %convert_element_type3A_273, %cond3A_274 : i32
      scf.if %cond3A_275 {
        %dma_wait3A = arith.constant 0 : i32
        %dma_wait3A_282 = tpu.memref_slice %arg5[%dma_wait3A] : memref<16000xf32, #tpu.memory_space<vmem>> -> memref<8000xf32, #tpu.memory_space<vmem>>
        %dma_wait3A_283 = arith.constant 0 : i32
        %dma_wait3A_284 = tpu.memref_slice %arg2[%dma_wait3A_283] : memref<2000000xf32, #tpu.memory_space<hbm>> -> memref<8000xf32, #tpu.memory_space<hbm>>
        %dma_wait3A_285 = arith.constant 0 : i32
        %dma_wait3A_286 = tpu.memref_slice %arg5[%dma_wait3A_285] : memref<16000xf32, #tpu.memory_space<vmem>> -> memref<8000xf32, #tpu.memory_space<vmem>>
        %dma_wait3A_287 = arith.constant 0 : i32
        %dma_wait3A_288 = tpu.memref_slice %arg2[%dma_wait3A_287] : memref<2000000xf32, #tpu.memory_space<hbm>> -> memref<8000xf32, #tpu.memory_space<hbm>>
        tpu.wait_dma2 semaphore(%arg8 : memref<!tpu.dma_semaphore, #tpu.memory_space<semaphore_mem>>) src(%dma_wait3A_288 : memref<8000xf32, #tpu.memory_space<hbm>>) dst(%dma_wait3A_286 : memref<8000xf32, #tpu.memory_space<vmem>>)
        %dma_wait3A_289 = arith.constant 0 : i32
        %dma_wait3A_290 = tpu.memref_slice %arg6[%dma_wait3A_289] : memref<16000xi32, #tpu.memory_space<vmem>> -> memref<8000xi32, #tpu.memory_space<vmem>>
        %dma_wait3A_291 = arith.constant 0 : i32
        %dma_wait3A_292 = tpu.memref_slice %arg3[%dma_wait3A_291] : memref<2000000xi32, #tpu.memory_space<hbm>> -> memref<8000xi32, #tpu.memory_space<hbm>>
        %dma_wait3A_293 = arith.constant 0 : i32
        %dma_wait3A_294 = tpu.memref_slice %arg6[%dma_wait3A_293] : memref<16000xi32, #tpu.memory_space<vmem>> -> memref<8000xi32, #tpu.memory_space<vmem>>
        %dma_wait3A_295 = arith.constant 0 : i32
        %dma_wait3A_296 = tpu.memref_slice %arg3[%dma_wait3A_295] : memref<2000000xi32, #tpu.memory_space<hbm>> -> memref<8000xi32, #tpu.memory_space<hbm>>
        tpu.wait_dma2 semaphore(%arg10 : memref<!tpu.dma_semaphore, #tpu.memory_space<semaphore_mem>>) src(%dma_wait3A_296 : memref<8000xi32, #tpu.memory_space<hbm>>) dst(%dma_wait3A_294 : memref<8000xi32, #tpu.memory_space<vmem>>)
        %parallel_loop3A = arith.constant 0 : i32
        %parallel_loop3A_297 = arith.constant 500 : i32
        %parallel_loop3A_298 = arith.constant 1 : i32
        scf.for %parallel_loop3A_305 = %parallel_loop3A to %parallel_loop3A_297 step %parallel_loop3A_298  : i32 {
          %parallel_loop3A_306 = arith.constant 16 : i32
          %parallel_loop3A_307 = arith.muli %parallel_loop3A_305, %parallel_loop3A_306 : i32
          %parallel_loop3A_308 = arith.constant 0 : i32
          %parallel_loop3A_309 = arith.addi %parallel_loop3A_308, %parallel_loop3A_307 : i32
          %parallel_loop3A_310 = arith.index_cast %parallel_loop3A_309 : i32 to index
          %parallel_loop3A_311 = tpu.vector_load %arg5[%parallel_loop3A_310] {strides = array<i32>} : memref<16000xf32, #tpu.memory_space<vmem>>, vector<16xf32>,
          %parallel_loop3A_312 = arith.index_cast %parallel_loop3A_309 : i32 to index
          %parallel_loop3A_313 = tpu.vector_load %arg6[%parallel_loop3A_312] {strides = array<i32>} : memref<16000xi32, #tpu.memory_space<vmem>>, vector<16xi32>,
          %parallel_loop3A_314 = arith.constant 2.000000e+01 : f32
          %parallel_loop3A_315 = vector.broadcast %parallel_loop3A_314 : f32 to vector<16xf32>
          %parallel_loop3A_316 = arith.mulf %parallel_loop3A_311, %parallel_loop3A_315 : vector<16xf32>
          %parallel_loop3A_317 = arith.fptosi %parallel_loop3A_316 : vector<16xf32> to vector<16xi32>
          %parallel_loop3A_318 = arith.sitofp %parallel_loop3A_317 : vector<16xi32> to vector<16xf32>
          %parallel_loop3A_319 = arith.subf %parallel_loop3A_316, %parallel_loop3A_318 : vector<16xf32>
          %parallel_loop3A_320 = arith.constant 22 : i32
          %parallel_loop3A_321 = vector.broadcast %parallel_loop3A_320 : i32 to vector<16xi32>
          %parallel_loop3A_322 = arith.muli %parallel_loop3A_313, %parallel_loop3A_321 : vector<16xi32>
          %parallel_loop3A_323 = arith.addi %parallel_loop3A_322, %parallel_loop3A_317 : vector<16xi32>
          %parallel_loop3A_324 = arith.constant 1.000000e+00 : f32
          %parallel_loop3A_325 = vector.broadcast %parallel_loop3A_324 : f32 to vector<16xf32>
          %parallel_loop3A_326 = arith.subf %parallel_loop3A_325, %parallel_loop3A_319 : vector<16xf32>
          tpu.vector_store_idx %arg7[%iota3A, %parallel_loop3A_323], %parallel_loop3A_326 {add = true} : memref<16x44xf32, #tpu.memory_space<vmem>>[vector<16xi32>, vector<16xi32>], vector<16xf32>,
          %parallel_loop3A_327 = arith.constant 1 : i32
          %parallel_loop3A_328 = vector.broadcast %parallel_loop3A_327 : i32 to vector<16xi32>
          %parallel_loop3A_329 = arith.addi %parallel_loop3A_323, %parallel_loop3A_328 : vector<16xi32>
          tpu.vector_store_idx %arg7[%iota3A, %parallel_loop3A_329], %parallel_loop3A_319 {add = true} : memref<16x44xf32, #tpu.memory_space<vmem>>[vector<16xi32>, vector<16xi32>], vector<16xf32>,
        } {sc.loop_unroll_factor = 8 : i64, sc.parallel_access}
        %add3A_299 = arith.constant 2 : i32
        %add3A_300 = arith.addi %mul3A_272, %add3A_299 : i32
        %lt3A_301 = arith.cmpi slt, %add3A_300, %select_n3A : i32
        %convert_element_type3A_302 = arith.extui %lt3A_301 : i1 to i32
        %cond3A_303 = arith.constant 0 : i32
        %cond3A_304 = arith.cmpi ne, %convert_element_type3A_302, %cond3A_303 : i32
        scf.if %cond3A_304 {
          %mul3A_305 = arith.constant 32 : i32
          %mul3A_306 = arith.muli %add3A_300, %mul3A_305 : i32
          %add3A_307 = arith.addi %add3A, %mul3A_306 : i32
          %mul3A_308 = arith.constant 8000 : i32
          %mul3A_309 = arith.muli %add3A_307, %mul3A_308 : i32
          %dma_start3A = arith.constant 0 : i32
          %dma_start3A_310 = tpu.memref_slice %arg5[%dma_start3A] : memref<16000xf32, #tpu.memory_space<vmem>> -> memref<8000xf32, #tpu.memory_space<vmem>>
          %dma_start3A_311 = tpu.memref_slice %arg2[%mul3A_309] : memref<2000000xf32, #tpu.memory_space<hbm>> -> memref<8000xf32, #tpu.memory_space<hbm>>
          %dma_start3A_312 = arith.constant 0 : i32
          %dma_start3A_313 = tpu.memref_slice %arg5[%dma_start3A_312] : memref<16000xf32, #tpu.memory_space<vmem>> -> memref<8000xf32, #tpu.memory_space<vmem>>
          %dma_start3A_314 = tpu.memref_slice %arg2[%mul3A_309] : memref<2000000xf32, #tpu.memory_space<hbm>> -> memref<8000xf32, #tpu.memory_space<hbm>>
          tpu.enqueue_dma source(%dma_start3A_314 : memref<8000xf32, #tpu.memory_space<hbm>>) target(%dma_start3A_313 : memref<8000xf32, #tpu.memory_space<vmem>>) target_semaphore(%arg8 : memref<!tpu.dma_semaphore, #tpu.memory_space<semaphore_mem>>)
          %dma_start3A_315 = arith.constant 0 : i32
          %dma_start3A_316 = tpu.memref_slice %arg6[%dma_start3A_315] : memref<16000xi32, #tpu.memory_space<vmem>> -> memref<8000xi32, #tpu.memory_space<vmem>>
          %dma_start3A_317 = tpu.memref_slice %arg3[%mul3A_309] : memref<2000000xi32, #tpu.memory_space<hbm>> -> memref<8000xi32, #tpu.memory_space<hbm>>
          %dma_start3A_318 = arith.constant 0 : i32
          %dma_start3A_319 = tpu.memref_slice %arg6[%dma_start3A_318] : memref<16000xi32, #tpu.memory_space<vmem>> -> memref<8000xi32, #tpu.memory_space<vmem>>
          %dma_start3A_320 = tpu.memref_slice %arg3[%mul3A_309] : memref<2000000xi32, #tpu.memory_space<hbm>> -> memref<8000xi32, #tpu.memory_space<hbm>>
          tpu.enqueue_dma source(%dma_start3A_320 : memref<8000xi32, #tpu.memory_space<hbm>>) target(%dma_start3A_319 : memref<8000xi32, #tpu.memory_space<vmem>>) target_semaphore(%arg10 : memref<!tpu.dma_semaphore, #tpu.memory_space<semaphore_mem>>)
        } else {
        }
      } else {
      }
      %add3A_276 = arith.constant 1 : i32
      %add3A_277 = arith.addi %mul3A_272, %add3A_276 : i32
      %lt3A_278 = arith.cmpi slt, %add3A_277, %select_n3A : i32
      %convert_element_type3A_279 = arith.extui %lt3A_278 : i1 to i32
      %cond3A_280 = arith.constant 0 : i32
      %cond3A_281 = arith.cmpi ne, %convert_element_type3A_279, %cond3A_280 : i32
      scf.if %cond3A_281 {
        %dma_wait3A = arith.constant 8000 : i32
        %dma_wait3A_282 = tpu.memref_slice %arg5[%dma_wait3A] : memref<16000xf32, #tpu.memory_space<vmem>> -> memref<8000xf32, #tpu.memory_space<vmem>>
        %dma_wait3A_283 = arith.constant 0 : i32
        %dma_wait3A_284 = tpu.memref_slice %arg2[%dma_wait3A_283] : memref<2000000xf32, #tpu.memory_space<hbm>> -> memref<8000xf32, #tpu.memory_space<hbm>>
        %dma_wait3A_285 = arith.constant 8000 : i32
        %dma_wait3A_286 = tpu.memref_slice %arg5[%dma_wait3A_285] : memref<16000xf32, #tpu.memory_space<vmem>> -> memref<8000xf32, #tpu.memory_space<vmem>>
        %dma_wait3A_287 = arith.constant 0 : i32
        %dma_wait3A_288 = tpu.memref_slice %arg2[%dma_wait3A_287] : memref<2000000xf32, #tpu.memory_space<hbm>> -> memref<8000xf32, #tpu.memory_space<hbm>>
        tpu.wait_dma2 semaphore(%arg9 : memref<!tpu.dma_semaphore, #tpu.memory_space<semaphore_mem>>) src(%dma_wait3A_288 : memref<8000xf32, #tpu.memory_space<hbm>>) dst(%dma_wait3A_286 : memref<8000xf32, #tpu.memory_space<vmem>>)
        %dma_wait3A_289 = arith.constant 8000 : i32
        %dma_wait3A_290 = tpu.memref_slice %arg6[%dma_wait3A_289] : memref<16000xi32, #tpu.memory_space<vmem>> -> memref<8000xi32, #tpu.memory_space<vmem>>
        %dma_wait3A_291 = arith.constant 0 : i32
        %dma_wait3A_292 = tpu.memref_slice %arg3[%dma_wait3A_291] : memref<2000000xi32, #tpu.memory_space<hbm>> -> memref<8000xi32, #tpu.memory_space<hbm>>
        %dma_wait3A_293 = arith.constant 8000 : i32
        %dma_wait3A_294 = tpu.memref_slice %arg6[%dma_wait3A_293] : memref<16000xi32, #tpu.memory_space<vmem>> -> memref<8000xi32, #tpu.memory_space<vmem>>
        %dma_wait3A_295 = arith.constant 0 : i32
        %dma_wait3A_296 = tpu.memref_slice %arg3[%dma_wait3A_295] : memref<2000000xi32, #tpu.memory_space<hbm>> -> memref<8000xi32, #tpu.memory_space<hbm>>
        tpu.wait_dma2 semaphore(%arg11 : memref<!tpu.dma_semaphore, #tpu.memory_space<semaphore_mem>>) src(%dma_wait3A_296 : memref<8000xi32, #tpu.memory_space<hbm>>) dst(%dma_wait3A_294 : memref<8000xi32, #tpu.memory_space<vmem>>)
        %parallel_loop3A = arith.constant 0 : i32
        %parallel_loop3A_297 = arith.constant 500 : i32
        %parallel_loop3A_298 = arith.constant 1 : i32
        scf.for %parallel_loop3A_305 = %parallel_loop3A to %parallel_loop3A_297 step %parallel_loop3A_298  : i32 {
          %parallel_loop3A_306 = arith.constant 16 : i32
          %parallel_loop3A_307 = arith.muli %parallel_loop3A_305, %parallel_loop3A_306 : i32
          %parallel_loop3A_308 = arith.constant 8000 : i32
          %parallel_loop3A_309 = arith.addi %parallel_loop3A_308, %parallel_loop3A_307 : i32
          %parallel_loop3A_310 = arith.index_cast %parallel_loop3A_309 : i32 to index
          %parallel_loop3A_311 = tpu.vector_load %arg5[%parallel_loop3A_310] {strides = array<i32>} : memref<16000xf32, #tpu.memory_space<vmem>>, vector<16xf32>,
          %parallel_loop3A_312 = arith.index_cast %parallel_loop3A_309 : i32 to index
          %parallel_loop3A_313 = tpu.vector_load %arg6[%parallel_loop3A_312] {strides = array<i32>} : memref<16000xi32, #tpu.memory_space<vmem>>, vector<16xi32>,
          %parallel_loop3A_314 = arith.constant 2.000000e+01 : f32
          %parallel_loop3A_315 = vector.broadcast %parallel_loop3A_314 : f32 to vector<16xf32>
          %parallel_loop3A_316 = arith.mulf %parallel_loop3A_311, %parallel_loop3A_315 : vector<16xf32>
          %parallel_loop3A_317 = arith.fptosi %parallel_loop3A_316 : vector<16xf32> to vector<16xi32>
          %parallel_loop3A_318 = arith.sitofp %parallel_loop3A_317 : vector<16xi32> to vector<16xf32>
          %parallel_loop3A_319 = arith.subf %parallel_loop3A_316, %parallel_loop3A_318 : vector<16xf32>
          %parallel_loop3A_320 = arith.constant 22 : i32
          %parallel_loop3A_321 = vector.broadcast %parallel_loop3A_320 : i32 to vector<16xi32>
          %parallel_loop3A_322 = arith.muli %parallel_loop3A_313, %parallel_loop3A_321 : vector<16xi32>
          %parallel_loop3A_323 = arith.addi %parallel_loop3A_322, %parallel_loop3A_317 : vector<16xi32>
          %parallel_loop3A_324 = arith.constant 1.000000e+00 : f32
          %parallel_loop3A_325 = vector.broadcast %parallel_loop3A_324 : f32 to vector<16xf32>
          %parallel_loop3A_326 = arith.subf %parallel_loop3A_325, %parallel_loop3A_319 : vector<16xf32>
          tpu.vector_store_idx %arg7[%iota3A, %parallel_loop3A_323], %parallel_loop3A_326 {add = true} : memref<16x44xf32, #tpu.memory_space<vmem>>[vector<16xi32>, vector<16xi32>], vector<16xf32>,
          %parallel_loop3A_327 = arith.constant 1 : i32
          %parallel_loop3A_328 = vector.broadcast %parallel_loop3A_327 : i32 to vector<16xi32>
          %parallel_loop3A_329 = arith.addi %parallel_loop3A_323, %parallel_loop3A_328 : vector<16xi32>
          tpu.vector_store_idx %arg7[%iota3A, %parallel_loop3A_329], %parallel_loop3A_319 {add = true} : memref<16x44xf32, #tpu.memory_space<vmem>>[vector<16xi32>, vector<16xi32>], vector<16xf32>,
        } {sc.loop_unroll_factor = 8 : i64, sc.parallel_access}
        %add3A_299 = arith.constant 2 : i32
        %add3A_300 = arith.addi %add3A_277, %add3A_299 : i32
        %lt3A_301 = arith.cmpi slt, %add3A_300, %select_n3A : i32
        %convert_element_type3A_302 = arith.extui %lt3A_301 : i1 to i32
        %cond3A_303 = arith.constant 0 : i32
        %cond3A_304 = arith.cmpi ne, %convert_element_type3A_302, %cond3A_303 : i32
        scf.if %cond3A_304 {
          %mul3A_305 = arith.constant 32 : i32
          %mul3A_306 = arith.muli %add3A_300, %mul3A_305 : i32
          %add3A_307 = arith.addi %add3A, %mul3A_306 : i32
          %mul3A_308 = arith.constant 8000 : i32
          %mul3A_309 = arith.muli %add3A_307, %mul3A_308 : i32
          %dma_start3A = arith.constant 8000 : i32
          %dma_start3A_310 = tpu.memref_slice %arg5[%dma_start3A] : memref<16000xf32, #tpu.memory_space<vmem>> -> memref<8000xf32, #tpu.memory_space<vmem>>
          %dma_start3A_311 = tpu.memref_slice %arg2[%mul3A_309] : memref<2000000xf32, #tpu.memory_space<hbm>> -> memref<8000xf32, #tpu.memory_space<hbm>>
          %dma_start3A_312 = arith.constant 8000 : i32
          %dma_start3A_313 = tpu.memref_slice %arg5[%dma_start3A_312] : memref<16000xf32, #tpu.memory_space<vmem>> -> memref<8000xf32, #tpu.memory_space<vmem>>
          %dma_start3A_314 = tpu.memref_slice %arg2[%mul3A_309] : memref<2000000xf32, #tpu.memory_space<hbm>> -> memref<8000xf32, #tpu.memory_space<hbm>>
          tpu.enqueue_dma source(%dma_start3A_314 : memref<8000xf32, #tpu.memory_space<hbm>>) target(%dma_start3A_313 : memref<8000xf32, #tpu.memory_space<vmem>>) target_semaphore(%arg9 : memref<!tpu.dma_semaphore, #tpu.memory_space<semaphore_mem>>)
          %dma_start3A_315 = arith.constant 8000 : i32
          %dma_start3A_316 = tpu.memref_slice %arg6[%dma_start3A_315] : memref<16000xi32, #tpu.memory_space<vmem>> -> memref<8000xi32, #tpu.memory_space<vmem>>
          %dma_start3A_317 = tpu.memref_slice %arg3[%mul3A_309] : memref<2000000xi32, #tpu.memory_space<hbm>> -> memref<8000xi32, #tpu.memory_space<hbm>>
          %dma_start3A_318 = arith.constant 8000 : i32
          %dma_start3A_319 = tpu.memref_slice %arg6[%dma_start3A_318] : memref<16000xi32, #tpu.memory_space<vmem>> -> memref<8000xi32, #tpu.memory_space<vmem>>
          %dma_start3A_320 = tpu.memref_slice %arg3[%mul3A_309] : memref<2000000xi32, #tpu.memory_space<hbm>> -> memref<8000xi32, #tpu.memory_space<hbm>>
          tpu.enqueue_dma source(%dma_start3A_320 : memref<8000xi32, #tpu.memory_space<hbm>>) target(%dma_start3A_319 : memref<8000xi32, #tpu.memory_space<vmem>>) target_semaphore(%arg11 : memref<!tpu.dma_semaphore, #tpu.memory_space<semaphore_mem>>)
        } else {
        }
      } else {
      }
    }
    %mul3A_266 = arith.constant 16 : i32
    %mul3A_267 = arith.muli %add3A, %mul3A_266 : i32
    "tpu.region"() ({
      %run_scoped3A = tpu.sem_alloc : memref<!tpu.dma_semaphore, #tpu.memory_space<semaphore_mem>>
      %dma_start3A = arith.constant 0 : i32
      %dma_start3A_268 = tpu.memref_slice %arg4[%mul3A_267, %dma_start3A] : memref<512x44xf32, #tpu.memory_space<hbm>> -> memref<16x44xf32, #tpu.memory_space<hbm>>
      %dma_start3A_269 = arith.constant 0 : i32
      %dma_start3A_270 = tpu.memref_slice %arg4[%mul3A_267, %dma_start3A_269] : memref<512x44xf32, #tpu.memory_space<hbm>> -> memref<16x44xf32, #tpu.memory_space<hbm>>
      tpu.enqueue_dma source(%arg7 : memref<16x44xf32, #tpu.memory_space<vmem>>) target(%dma_start3A_270 : memref<16x44xf32, #tpu.memory_space<hbm>>) target_semaphore(%run_scoped3A : memref<!tpu.dma_semaphore, #tpu.memory_space<semaphore_mem>>)
      %dma_wait3A = arith.constant 0 : i32
      %dma_wait3A_271 = tpu.memref_slice %arg4[%mul3A_267, %dma_wait3A] : memref<512x44xf32, #tpu.memory_space<hbm>> -> memref<16x44xf32, #tpu.memory_space<hbm>>
      %dma_wait3A_272 = arith.constant 0 : i32
      %dma_wait3A_273 = tpu.memref_slice %arg4[%mul3A_267, %dma_wait3A_272] : memref<512x44xf32, #tpu.memory_space<hbm>> -> memref<16x44xf32, #tpu.memory_space<hbm>>
      tpu.wait_dma2 semaphore(%run_scoped3A : memref<!tpu.dma_semaphore, #tpu.memory_space<semaphore_mem>>) src(%arg7 : memref<16x44xf32, #tpu.memory_space<vmem>>) dst(%dma_wait3A_273 : memref<16x44xf32, #tpu.memory_space<hbm>>)
      tpu.yield
    }) : () -> ()
    return
  }
}

module attributes {stable_mosaic.version = 14 : i64} {
  func.func @_finish_body(%arg0: memref<512x44xf32, #tpu.memory_space<vmem>>, %arg1: memref<2xi32, #tpu.memory_space<smem>>, %arg2: memref<1x1xf32, #tpu.memory_space<smem>>) attributes {dimension_semantics = [], scalar_prefetch = 0 : i64, scratch_operands = 0 : i64, tpu.core_type = #tpu.core_type<tc>} {
    %get3A = arith.constant 0 : index
    %get3A_0 = arith.constant 0 : index
    %get3A_1 = vector.load %arg0[%get3A, %get3A_0] : memref<512x44xf32, #tpu.memory_space<vmem>>, vector<512x44xf32>
    %reduce_sum3A = arith.constant dense<0.000000e+00> : vector<44xf32>
    %reduce_sum3A_2 = vector.multi_reduction <add>, %get3A_1, %reduce_sum3A [0] : vector<512x44xf32> to vector<44xf32>
    %broadcast_in_dim3A = vector.shape_cast %reduce_sum3A_2 : vector<44xf32> to vector<1x44xf32>
    %slice3A = vector.extract_strided_slice %broadcast_in_dim3A {offsets = [0, 0], sizes = [1, 21], strides = [1, 1]} : vector<1x44xf32> to vector<1x21xf32>
    %slice3A_3 = vector.extract_strided_slice %broadcast_in_dim3A {offsets = [0, 22], sizes = [1, 21], strides = [1, 1]} : vector<1x44xf32> to vector<1x21xf32>
    %reduce_sum3A_4 = vector.shape_cast %slice3A : vector<1x21xf32> to vector<1x1x21xf32>
    %reduce_sum3A_5 = arith.constant dense<0.000000e+00> : vector<1xf32>
    %reduce_sum3A_6 = vector.multi_reduction <add>, %reduce_sum3A_4, %reduce_sum3A_5 [1, 2] : vector<1x1x21xf32> to vector<1xf32>
    %reduce_sum3A_7 = vector.shape_cast %reduce_sum3A_6 : vector<1xf32> to vector<1x1x1xf32>
    %reduce_sum3A_8 = vector.extract %reduce_sum3A_7[0, 0, 0] : f32 from vector<1x1x1xf32>
    %div3A = vector.broadcast %reduce_sum3A_8 : f32 to vector<1x21xf32>
    %div3A_9 = arith.divf %slice3A, %div3A : vector<1x21xf32>
    %reduce_sum3A_10 = vector.shape_cast %slice3A_3 : vector<1x21xf32> to vector<1x1x21xf32>
    %reduce_sum3A_11 = arith.constant dense<0.000000e+00> : vector<1xf32>
    %reduce_sum3A_12 = vector.multi_reduction <add>, %reduce_sum3A_10, %reduce_sum3A_11 [1, 2] : vector<1x1x21xf32> to vector<1xf32>
    %reduce_sum3A_13 = vector.shape_cast %reduce_sum3A_12 : vector<1xf32> to vector<1x1x1xf32>
    %reduce_sum3A_14 = vector.extract %reduce_sum3A_13[0, 0, 0] : f32 from vector<1x1x1xf32>
    %div3A_15 = vector.broadcast %reduce_sum3A_14 : f32 to vector<1x21xf32>
    %div3A_16 = arith.divf %slice3A_3, %div3A_15 : vector<1x21xf32>
    %iota3A = tpu.iota {dimensions = array<i32: 1>} : vector<1x21xi32>
    %get3A_17 = arith.constant 0 : index
    %get3A_18 = memref.load %arg1[%get3A_17] : memref<2xi32, #tpu.memory_space<smem>>
    %ge3A = vector.broadcast %get3A_18 : i32 to vector<1x21xi32>
    %ge3A_19 = arith.cmpi sge, %iota3A, %ge3A : vector<1x21xi32>
    %get3A_20 = arith.constant 1 : index
    %get3A_21 = memref.load %arg1[%get3A_20] : memref<2xi32, #tpu.memory_space<smem>>
    %lt3A = vector.broadcast %get3A_21 : i32 to vector<1x21xi32>
    %lt3A_22 = arith.cmpi slt, %iota3A, %lt3A : vector<1x21xi32>
    %and3A = arith.andi %ge3A_19, %lt3A_22 : vector<1x21xi1>
    %sub3A = arith.subf %div3A_9, %div3A_16 : vector<1x21xf32>
    %abs3A = math.absf %sub3A : vector<1x21xf32>
    %jit3A = arith.constant 0.000000e+00 : f32
    %broadcast_in_dim3A_23 = vector.broadcast %jit3A : f32 to vector<1x21xf32>
    %select_n3A = arith.select %and3A, %abs3A, %broadcast_in_dim3A_23 : vector<1x21xi1>, vector<1x21xf32>
    %reduce_sum3A_24 = vector.shape_cast %select_n3A : vector<1x21xf32> to vector<1x1x21xf32>
    %reduce_sum3A_25 = arith.constant dense<0.000000e+00> : vector<1xf32>
    %reduce_sum3A_26 = vector.multi_reduction <add>, %reduce_sum3A_24, %reduce_sum3A_25 [1, 2] : vector<1x1x21xf32> to vector<1xf32>
    %reduce_sum3A_27 = vector.shape_cast %reduce_sum3A_26 : vector<1xf32> to vector<1x1x1xf32>
    %reduce_sum3A_28 = vector.extract %reduce_sum3A_27[0, 0, 0] : f32 from vector<1x1x1xf32>
    %swap3A = arith.constant 0 : index
    %swap3A_29 = arith.constant 0 : index
    %swap3A_30 = memref.load %arg2[%swap3A, %swap3A_29] : memref<1x1xf32, #tpu.memory_space<smem>>
    memref.store %reduce_sum3A_28, %arg2[%swap3A, %swap3A_29] : memref<1x1xf32, #tpu.memory_space<smem>>
    return
  }
}

</mosaic_0001>

<sc_bundles>
// kernel: kernel.4.cloned.1.call-start
scs
__scs_entry_jumppad:
0x0: {  	(pc) =	sbr.rel $0x88, $3  }
0x1: {  	(tag) =	ssettag $0x0;
	lr =	simm.s32 $0x1  }
0x2: {  	[smem:$0x3F9D] =	sst lr;
	_ =	strace $0xD0000000  }
0x3: {  	_ = 	snop  }
0x4: {  	_ = 	snop  }
0x5: {  	_ = 	snop  }
0x6: {  	_ = 	snop  }
0x7: {  	_ = 	snop  }
__scs_overlays_trampoline_lowered:
0x8: {  	[smem:$0x3FAC] =	sst s0  }
0x9: {  	[smem:$0x3FAD] =	sst s1  }
0xa: {  	[smem:$0x3FAE] =	sst s2  }
0xb: {  	[smem:$0x3FAF] =	sst s3  }
0xc: {  	[smem:$0x3FB0] =	sst s4  }
0xd: {  	[smem:$0x3FB1] =	sst s5  }
0xe: {  	[smem:$0x3FB2] =	sst s6  }
0xf: {  	[smem:$0x3FB3] =	sst s7  }
0x10: {  	[smem:$0x3FB4] =	sst s8  }
0x11: {  	[smem:$0x3FB5] =	sst s9;
	s0 =	simm.s32 @!p0 $0x0  }
0x12: {  	s1 =	sld [smem:$0x3F9B];
	s0 =	simm.s32 @p0 $0x1  }
0x13: {  	[smem:$0x3FB6] =	sst s0;
	s0 =	simm.s32 @!p1 $0x0  }
0x14: {  	s2 =	sld [smem:$0x3F9A];
	s0 =	simm.s32 @p1 $0x1  }
0x15: {  	[smem:$0x3FB7] =	sst s0;
	s0 =	simm.s32 @!p2 $0x0  }
0x16: {  	s3 =	sld [smem:$0x3FDB];
	s0 =	simm.s32 @p2 $0x1  }
0x17: {  	s4 =	simm.s32 $0x1BF5;
	[smem:$0x3FB9] =	sst s0  }
0x18: {  	s0 =	sld [smem:$0x3F9C];
	_ =	swait.ge [sflag:s4], $0x0  }
0x19: {  	s7 =	sld [smem:$0x3F9D]  }
0x1a: {  	s8 =	sadd.s32 $0xFFFFE003, lr  }
0x1b: {  	s9 =	sadd.s32 $0xFFFFFEF7, lr;
	s5 =	simm.s32 $0xFFFFFFFF;
	p2 =	slt.u32 s8, $0xFFFFF086  }
0x1c: {  	p1 =	slt.u32 s9, $0xF7A;
	s5 =	simm.s32 @!p2 $0x0  }
0x1d: {  	s5 =	simm.s32 @p1 $0x1;
	p0 =	seq.s32 s7, s2  }
0x1e: {  	s7 =	smul.u32 @!p0 $0xF7A, s2;
	p2 =	seq.s32 @!p0 s5, $0x0  }
0x1f: {  	s9 =	smul.u32 $0xF7A, s1;
	s8 =	simm.s32 @!p0 $0x1BF5;
	p2 =	por !p2, p0  }
0x20: {  	[sflag:s8] =	ssyncset.s32 @!p0 $0xFFFFF086;
	s6 =	sadd.s32 @!p0 s3, s7;
	s7 =	simm.s32 @!p0 $0x108  }
0x21: {  	s3 =	sadd.s32 s3, s9;
	s6 =	sadd.s32 @!p0 $0x88, s6;
	s7 =	simm.s32 @p2 $0x1082  }
0x22: {  	[simem:s7], [sflag:s8] =	dma.local @!p0 [hbm:s6], $0xF7A  }
0x23: {  	s9 =	sor.u32 $0xD0000000, s2;
	s6 =	simm.s32 $0x108;
	_ =	swait.ge @!p0 [sflag:s8], $0x0  }
0x24: {  	s3 =	sadd.s32 $0x88, s3;
	s6 =	simm.s32 @!p1 $0x1082;
	[sflag:s4] =	ssyncset.s32 $0xFFFFF086  }
0x25: {  	[simem:s6], [sflag:s4] =	dma.local [hbm:s3], $0xF7A  }
0x26: {  	[smem:$0x3F9D] =	sst s1;
	(tag) =	ssettag s2;
	_ =	strace s9  }
0x27: {  	s1 =	sld [smem:$0x3FAD]  }
0x28: {  	s2 =	sld [smem:$0x3FAE]  }
0x29: {  	s4 =	sld [smem:$0x3FB0]  }
0x2a: {  	p0 =	seq.s32 s5, $0x0;
	s5 =	sld [smem:$0x3FB1]  }
0x2b: {  	s6 =	sld [smem:$0x3FB2]  }
0x2c: {  	s7 =	sld [smem:$0x3FB3]  }
0x2d: {  	s3 =	simm.s32 $0x108;
	s8 =	sld [smem:$0x3FB4]  }
0x2e: {  	s3 =	simm.s32 @!p0 $0x1082;
	s9 =	sld [smem:$0x3FB5]  }
0x2f: {  	lr =	sadd.s32 s0, s3;
	s0 =	sld [smem:$0x3FAC]  }
0x30: {  	s3 =	sld [smem:$0x3FAF]  }
0x31: {  	[smem:$0x3FB8] =	sst s10  }
0x32: {  	s10 =	sld [smem:$0x3FB6];
	_ =	sdelay $0x3  }
0x33: {  	p0 =	seq.s32 s10, $0x1;
	s10 =	sld [smem:$0x3FB8];
	_ =	sdelay $0x3  }
0x34: {  	[smem:$0x3FB8] =	sst s10  }
0x35: {  	s10 =	sld [smem:$0x3FB7];
	_ =	sdelay $0x3  }
0x36: {  	p1 =	seq.s32 s10, $0x1;
	s10 =	sld [smem:$0x3FB8];
	_ =	sdelay $0x3  }
0x37: {  	[smem:$0x3FB8] =	sst s10  }
0x38: {  	s10 =	sld [smem:$0x3FB9]  }
0x39: {  	_ = 	snop;
	(pc) =	sbr.ind lr, $3  }
0x3a: {  	_ = 	snop  }
0x3b: {  	_ = 	snop  }
0x3c: {  	p2 =	seq.s32 s10, $0x1;
	s10 =	sld [smem:$0x3FB8]  }
0x3d: {  	_ =	shalt  }
0x3e: {  	_ =	shalt  }
0x3f: {  	_ =	shalt  }
0x40: {  	_ =	shalt  }
0x41: {  	_ =	shalt  }
0x42: {  	_ =	shalt  }
0x43: {  	_ =	shalt  }
0x44: {  	_ =	shalt  }
0x45: {  	_ =	shalt  }
0x46: {  	_ =	shalt  }
0x47: {  	_ =	shalt  }
0x48: {  	_ =	shalt  }
0x49: {  	_ =	shalt  }
0x4a: {  	_ =	shalt  }
0x4b: {  	_ =	shalt  }
0x4c: {  	_ =	shalt  }
0x4d: {  	_ =	shalt  }
0x4e: {  	_ =	shalt  }
0x4f: {  	_ =	shalt  }
0x50: {  	_ =	shalt  }
0x51: {  	_ =	shalt  }
0x52: {  	_ =	shalt  }
0x53: {  	_ =	shalt  }
0x54: {  	_ =	shalt  }
0x55: {  	_ =	shalt  }
0x56: {  	_ =	shalt  }
0x57: {  	_ =	shalt  }
0x58: {  	_ =	shalt  }
0x59: {  	_ =	shalt  }
0x5a: {  	_ =	shalt  }
0x5b: {  	_ =	shalt  }
0x5c: {  	_ =	shalt  }
0x5d: {  	_ =	shalt  }
0x5e: {  	_ =	shalt  }
0x5f: {  	_ =	shalt  }
0x60: {  	_ =	shalt  }
0x61: {  	_ =	shalt  }
0x62: {  	_ =	shalt  }
0x63: {  	_ =	shalt  }
0x64: {  	_ =	shalt  }
0x65: {  	_ =	shalt  }
0x66: {  	_ =	shalt  }
0x67: {  	_ =	shalt  }
0x68: {  	_ =	shalt  }
0x69: {  	_ =	shalt  }
0x6a: {  	_ =	shalt  }
0x6b: {  	_ =	shalt  }
0x6c: {  	_ =	shalt  }
0x6d: {  	_ =	shalt  }
0x6e: {  	_ =	shalt  }
0x6f: {  	_ =	shalt  }
0x70: {  	_ =	shalt  }
0x71: {  	_ =	shalt  }
0x72: {  	_ =	shalt  }
0x73: {  	_ =	shalt  }
0x74: {  	_ =	shalt  }
0x75: {  	_ =	shalt  }
0x76: {  	_ =	shalt  }
0x77: {  	_ =	shalt  }
0x78: {  	_ =	shalt  }
0x79: {  	_ =	shalt  }
0x7a: {  	_ =	shalt  }
0x7b: {  	_ =	shalt  }
0x7c: {  	_ =	shalt  }
0x7d: {  	_ =	shalt  }
0x7e: {  	_ =	shalt  }
0x7f: {  	_ =	shalt  }
0x80: {  	_ =	shalt  }
0x81: {  	_ =	shalt  }
0x82: {  	_ =	shalt  }
0x83: {  	_ =	shalt  }
0x84: {  	_ =	shalt  }
0x85: {  	_ =	shalt  }
0x86: {  	_ =	shalt  }
0x87: {  	_ =	shalt  }
.Lfunc_end0:
.L_simem_size_0:
called_computation_lowered:
.L_overlay_start_0:
0x88: {  	s2 =	sld [smem:$0x3FD9]  }
0x89: {  	s3 =	sld [smem:$0x3FFE];
	_ =	sdelay $0x1  }
0x8a: {  	s1 =	srdreg.scid  }
0x8b: {  	s0 =	sand.u32 $0x1, s1  }
0x8c: {  	s17 =	sshll.u32 s0, $0xA;
	s2 =	sadd.s32 s3, s2  }
0x8d: {  	s2 =	sadd.s32 s2, s17  }
0x8e: {  	[smem:$0x3FC4] =	sst s2  }
0x8f: {  	_ = 	snop  }
0x90: {  	s2 =	sld [smem:$0x3FC9]  }
0x91: {  	s18 =	sld [smem:$0x3FC8];
	(tm) =	ssettm $0x1  }
0x92: {  	s4 =	sld [smem:$0x3FFB];
	_ =	sdelay $0x3  }
0x93: {  	_ =	strace s4  }
0x94: {  	s4 =	sld [smem:$0x3FFC];
	_ =	sdelay $0x3  }
0x95: {  	_ =	strace s4  }
0x96: {  	s4 =	sld [smem:$0x3FFD];
	_ =	sdelay $0x3  }
0x97: {  	_ =	strace s4  }
0x98: {  	_ =	strace $0x8FFFFFFF  }
0x99: {  	s19 =	sld [smem:$0x3FDB];
	_ =	sdelay $0x1  }
0x9a: {  	s5 =	simm.s32 $_scs_section_size  }
0x9b: {  	s6 =	simm.s32 $_size__tile_overlayer_lowered;
	s7 =	simm.s32 $_tile_overlayer_lowered  }
0x9c: {  	s22 =	simm.s32 $0x1BFF;
	s21 =	sshll.u32 s7, $0x1;
	s4 =	sadd.s32 s5, s19  }
0x9d: {  	s8 =	simm.s32 $0x0;
	s20 =	sshll.u32 s6, $0x1;
	s6 =	sadd.s32 s21, s4  }
0x9e: {  	[timem:s8], [sflag:s22] =	dma.local [hbm:s6], s20  }
0x9f: {  	_ =	swait.ge [sflag:s22], s20  }
0xa0: {  	s5 =	ssub.s32 $0x0, s20;
	[sflag:s22] =	ssyncset.done $0x0  }
0xa1: {  	[sflag:s22] =	ssyncadd.s32 s5;
	_ =	sdelay $0x1  }
0xa2: {  	s23 =	simm.s32 $0x1B8B  }
0xa3: {  	_ =	swait.ge [sflag:s23], $0x1  }
0xa4: {  	[sflag:s23] =	ssyncset.done $0x0  }
0xa5: {  	s25 =	simm.s32 $0x1B8E;
	s24 =	sld [smem:$0x3FFE];
	[sflag:s23] =	ssyncadd.s32 $0xFFFFFFFF  }
0xa6: {  	s26 =	simm.s32 $execute0_lowered;
	[smem:$0x3FD2] =	sst s25  }
0xa7: {  	s6 =	sshll.u32 s26, $0x1;
	_ =	strace $0x80000046;
	[dreg:$0x1] =	wrdreg $0xFFFFFFFF  }
0xa8: {  	s28 =	simm.s32 $_size_execute0_lowered;
	s4 =	sadd.s32 s4, s6;
	[dreg:$0x0] =	wrdreg $0x0  }
0xa9: {  	s6 =	sshll.u32 s28, $0x1;
	[dreg:$0x2] =	wrdreg s4  }
0xaa: {  	[dreg:$0x3] =	wrdreg s6  }
0xab: {  	[dreg:$0x4] =	wrdreg $0xC0  }
0xac: {  	_ =	task [dreg:s8], $0x5FFFF  }
0xad: {  	[dreg:$0x1] =	wrdreg $0xFFFFFFFF  }
0xae: {  	[dreg:$0x0] =	wrdreg $0x60  }
0xaf: {  	[dreg:$0x2] =	wrdreg s2  }
0xb0: {  	[dreg:$0x3] =	wrdreg s18  }
0xb1: {  	[dreg:$0x4] =	wrdreg s24  }
0xb2: {  	[dreg:$0x5] =	wrdreg $0x9  }
0xb3: {  	_ =	task.clear_ibuf [dreg:s8], $0x6FFFF;
	_ =	strace $0x90000046  }
0xb4: {  	s29 =	simm.s32 $0x9;
	_ =	strace $0x80000048  }
0xb5: {  	_ =	swait.ge [sflag:s29], $0x1  }
0xb6: {  	[sflag:s29] =	ssyncadd.s32 $0xFFFFFFFF  }
0xb7: {  	_ =	strace $0x90000048  }
0xb8: {  	_ =	sfence  }
0xb9: {  	s30 =	sld [smem:$0x0];
	_ =	sdelay $0x2  }
0xba: {  	s31 =	sshll.u32 s1, $0xD;
	s1 =	sshrl.u32 s1, $0x2  }
0xbb: {  	s3 =	sand.u32 $0x4000, s31;
	s1 =	sadd.s32 s1, s30  }
0xbc: {  	s0 =	sor.u32 s3, s0;
	s1 =	sshll.u32 s1, $0x11  }
0xbd: {  	s0 =	sor.u32 s1, s0  }
0xbe: {  	s0 =	sadd.s32 $0x8F2B, s0  }
0xbf: {  	[sflag:s0] =	ssyncadd.remote.s32 $0x1  }
0xc0: {  	_ =	sfence.sel $0xFFFF  }
0xc1: {  	[dreg:$0x0] =	wrdreg $0xFFFFFFFF;
	(pc) =	sbr.abs _section_cstart, $3  }
0xc2: {  	[dreg:$0x1] =	wrdreg $0xFFFFFFFF  }
0xc3: {  	_ =	task.clear_ibuf [dreg:s8], $0x2FFFF;
	_ =	strace $0x9FFFFFFF  }
0xc4: {  	(tm) =	ssettm $0x7FFFFFFF  }
0xc5: {  	_ =	shalt  }
tec
execute0_lowered:
.L_overlay_start_1:
0x0: {  	(tag) =	ssettag $0x1  }
0x1: {  	s1 =	rddreg [dreg:$0x0]  }
0x2: {  	s2 =	rddreg [dreg:$0x1]  }
0x3: {  	s6 =	rddreg [dreg:$0x2]  }
0x4: {  	s0 =	rddreg [dreg:$0x3]  }
0x5: {  	s4 =	simm.s32 $0x0;
	s5 =	srdreg.scid;
	s3 =	stileid.u32  }
0x6: {  	s13 =	simm.s32 $0x3E80;
	s14 =	simm.s32 $0x1F40;
	s15 =	simm.s32 $0x5DC0  }
0x7: {  	s16 =	simm.s32 $0x1;
	s17 =	simm.s32 $0x3;
	s18 =	simm.s32 $0x7D00  }
0x8: {  	s19 =	simm.s32 $0x2;
	s7 =	sand.u32 $0x1, s5;
	s28 =	sshll.u32 s3, $0x1  }
0x9: {  	s20 =	simm.s32 $0x4;
	s21 =	simm.s32 $0x5;
	s5 =	sor.u32 s7, s28  }
0xa: {  	s22 =	simm.s32 $0x0;
	[smem:$0x7FF] =	sst s4;
	s9 =	smul.u32 $0x1F40, s5  }
0xb: {  	_ =	strace $0x80000047;
	s7 =	ssub.s32 $0x2, s7;
	s30 =	smul.u32 $0x3E8, s5  }
.Ltmp0:
0xc: {  	s8 =	sshll.u32 s5, $0x8;
	s29 =	sshrl.u32 s7, $0x1;
	(pc) =	sbr.rel .LBB2_1-.Ltmp0, $4  }
0xd: {  	v0 =	vlaneseq.u32;
	s31 =	ssub.s32 $0x119, s5;
	s11 =	sadd.s32 s8, s6;
	s12 =	ssub.s32 s7, s29  }
0xe: {  	v0 =	vmul.u32 $0x80, v0;
	s6 =	sshrl.u32 s31, $0x5;
	s9 =	sshrl.u32 s9, $0x3;
	s7 =	sadd.s32 s1, s30  }
0xf: {  	s8 =	sadd.s32 s2, s30;
	s11 =	sadd.s32 $0x600, s11;
	s10 =	sadd.s32 $0x7D00, s9  }
0x10: {  	v1 =	vimm.f32 $0.0e+00;
	v2 =	vor.u32 $0x1, v0;
	s12 =	smax.u32 s12, $0x1;
	s9 =	sadd.s32 s1, s10;
	s10 =	sadd.s32 s2, s10  }
.LBB2_13:
0x11: {  	s22 =	sadd.s32 $0x1, s22  }
0x12: {  	p0 =	sne.s32 s22, s12  }
.Ltmp1:
0x13: {  	_ = 	snop;
	(pc) =	sbr.rel @!p0 .LBB2_14-.Ltmp1, $4  }
0x14: {  	[hbm4b:s11+s4] =	stream.linear.scatter [tilespmem:s18], [sflag:$0x5], $0x800, $0x38;
	[tilespmem:$0x8500] =	vst v63  }
0x15: {  	_ =	swait.ge [sflag:s21], $0x800  }
0x16: {  	[sflag:s21] =	ssyncset.done $0x0  }
0x17: {  	[sflag:s21] =	ssyncadd.s32 $0xFFFFF800  }
.LBB2_1:
0x18: {  	[tilespmem:s4], [sflag:$0x1] =	stream.linear.gather [hbm4b:s7+s4], $0x1F40, $0x38;
	[tilespmem:$0x8500] =	vst v63  }
0x19: {  	_ = 	snop  }
0x1a: {  	[tilespmem:s13], [sflag:$0x3] =	stream.linear.gather [hbm4b:s8+s4], $0x1F40, $0x38;
	[tilespmem:$0x8500] =	vst v63  }
0x1b: {  	_ = 	snop  }
0x1c: {  	[tilespmem:s14], [sflag:$0x2] =	stream.linear.gather [hbm4b:s9+s4], $0x1F40, $0x38;
	[tilespmem:$0x8500] =	vst v63  }
0x1d: {  	_ = 	snop  }
0x1e: {  	[tilespmem:s15], [sflag:$0x4] =	stream.linear.gather [hbm4b:s10+s4], $0x1F40, $0x38;
	[tilespmem:$0x8500] =	vst v63  }
0x1f: {  	[tilespmem:$0x7D00] =	vst v1  }
0x20: {  	[tilespmem:$0x7D10] =	vst v1  }
0x21: {  	[tilespmem:$0x7D80] =	vst v1  }
0x22: {  	[tilespmem:$0x7D90] =	vst v1  }
0x23: {  	[tilespmem:$0x7E00] =	vst v1  }
0x24: {  	[tilespmem:$0x7E10] =	vst v1  }
0x25: {  	[tilespmem:$0x7E80] =	vst v1  }
0x26: {  	[tilespmem:$0x7E90] =	vst v1  }
0x27: {  	[tilespmem:$0x7F00] =	vst v1  }
0x28: {  	[tilespmem:$0x7F10] =	vst v1  }
0x29: {  	[tilespmem:$0x7F80] =	vst v1  }
0x2a: {  	[tilespmem:$0x7F90] =	vst v1  }
0x2b: {  	[tilespmem:$0x8000] =	vst v1  }
0x2c: {  	[tilespmem:$0x8010] =	vst v1  }
0x2d: {  	[tilespmem:$0x8080] =	vst v1  }
0x2e: {  	[tilespmem:$0x8090] =	vst v1  }
0x2f: {  	[tilespmem:$0x8100] =	vst v1  }
0x30: {  	[tilespmem:$0x8110] =	vst v1  }
0x31: {  	[tilespmem:$0x8180] =	vst v1  }
0x32: {  	[tilespmem:$0x8190] =	vst v1  }
0x33: {  	[tilespmem:$0x8200] =	vst v1  }
0x34: {  	[tilespmem:$0x8210] =	vst v1  }
0x35: {  	[tilespmem:$0x8280] =	vst v1  }
0x36: {  	[tilespmem:$0x8290] =	vst v1  }
0x37: {  	[tilespmem:$0x8300] =	vst v1  }
0x38: {  	[tilespmem:$0x8310] =	vst v1  }
0x39: {  	[tilespmem:$0x8380] =	vst v1  }
0x3a: {  	[tilespmem:$0x8390] =	vst v1  }
0x3b: {  	[tilespmem:$0x8400] =	vst v1  }
0x3c: {  	[tilespmem:$0x8410] =	vst v1  }
0x3d: {  	[tilespmem:$0x8480] =	vst v1  }
0x3e: {  	[tilespmem:$0x8490] =	vst v1  }
0x3f: {  	[tilespmem:$0x7D1C] =	vst v1  }
0x40: {  	[tilespmem:$0x7D9C] =	vst v1  }
0x41: {  	[tilespmem:$0x7E1C] =	vst v1  }
0x42: {  	[tilespmem:$0x7E9C] =	vst v1  }
0x43: {  	[tilespmem:$0x7F1C] =	vst v1  }
0x44: {  	[tilespmem:$0x7F9C] =	vst v1  }
0x45: {  	[tilespmem:$0x801C] =	vst v1  }
0x46: {  	[tilespmem:$0x809C] =	vst v1  }
0x47: {  	[tilespmem:$0x811C] =	vst v1  }
0x48: {  	[tilespmem:$0x819C] =	vst v1  }
0x49: {  	[tilespmem:$0x821C] =	vst v1  }
.Ltmp2:
0x4a: {  	[tilespmem:$0x829C] =	vst v1;
	(pc) =	sbr.rel .LBB2_2-.Ltmp2, $4  }
0x4b: {  	[tilespmem:$0x831C] =	vst v1  }
0x4c: {  	[tilespmem:$0x839C] =	vst v1  }
0x4d: {  	[tilespmem:$0x841C] =	vst v1  }
0x4e: {  	s23 =	simm.s32 $0x0;
	[tilespmem:$0x849C] =	vst v1  }
.LBB2_12:
0x4f: {  	s23 =	sadd.s32 $0x1, s23  }
0x50: {  	p0 =	sne.s32 s23, $0x4  }
.Ltmp3:
0x51: {  	_ = 	snop;
	(pc) =	sbr.rel @!p0 .LBB2_13-.Ltmp3, $1  }
0x52: {  	_ =	sdelay $0x3  }
.LBB2_2:
0x53: {  	_ =	swait.ge [sflag:s16], $0x1F40  }
0x54: {  	[sflag:s16] =	ssyncset.done $0x0  }
0x55: {  	[sflag:s16] =	ssyncadd.s32 $0xFFFFE0C0  }
0x56: {  	_ =	swait.ge [sflag:s17], $0x1F40  }
0x57: {  	[sflag:s17] =	ssyncset.done $0x0  }
0x58: {  	s26 =	simm.s32 $0x40;
	[sflag:s17] =	ssyncadd.s32 $0xFFFFE0C0  }
0x59: {  	v4 =	vld [tilespmem:s26+$0x30]  }
0x5a: {  	v5 =	vld [tilespmem:s26+$0xFFFFFFF0]  }
0x5b: {  	v6 =	vld [tilespmem:s26+$0x0]  }
0x5c: {  	v7 =	vld [tilespmem:s26+$0x10]  }
0x5d: {  	v10 =	vld [tilespmem:s26+$0xFFFFFFD0]  }
0x5e: {  	s25 =	simm.s32 $0x3EC0;
	v11 =	vld [tilespmem:s26+$0x20]  }
0x5f: {  	v3 =	vld [tilespmem:s25+$0x20]  }
0x60: {  	v12 =	vld [tilespmem:s25+$0x30]  }
0x61: {  	v23 =	vld [tilespmem:s25+$0xFFFFFFF0];
	v8 =	vmul.f32 $2.000000000e+01, v5;
	v6 =	vmul.f32 $2.000000000e+01, v6  }
0x62: {  	v15 =	vld [tilespmem:s25+$0x10];
	v9 =	vmul.f32 $2.000000000e+01, v4;
	v13 =	vmul.f32 $2.000000000e+01, v7  }
0x63: {  	v5 =	vld [tilespmem:s25+$0xFFFFFFD0];
	v16 =	vmul.f32 $2.000000000e+01, v10;
	v14 =	vmul.f32 $2.000000000e+01, v11  }
0x64: {  	v10 =	vld [tilespmem:s25+$0x0];
	v17 =	vmul.u32 $0x16, v3;
	v4 =	vtrunc.f32 v6;
	v3 =	vtrunc.f32 v13  }
0x65: {  	v12 =	vmul.u32 $0x16, v12;
	v11 =	vtrunc.f32 v9;
	v7 =	vtrunc.f32 v16  }
0x66: {  	v23 =	vmul.u32 $0x16, v23;
	v18 =	vtrunc.f32 v14;
	v21 =	vcvt.f32.s32 v3  }
0x67: {  	v3 =	vmul.u32 $0x16, v15;
	v15 =	vcvt.f32.s32 v7;
	v20 =	vcvt.f32.s32 v4  }
0x68: {  	v11 =	vcvt.f32.s32 v11;
	v18 =	vcvt.f32.s32 v18;
	v5 =	vmul.u32 $0x16, v5  }
0x69: {  	v7 =	vadd.s32 v21, v3;
	v3 =	vcvt.s32.f32 v15;
	v22 =	vmul.u32 $0x16, v10;
	v10 =	vld [tilespmem:s26+$0xFFFFFFC0]  }
0x6a: {  	v4 =	vcvt.s32.f32 v20;
	v17 =	vadd.s32 v18, v17;
	v12 =	vadd.s32 v11, v12  }
0x6b: {  	v19 =	vld [tilespmem:s25+$0xFFFFFFC0];
	v21 =	vcvt.s32.f32 v21;
	v5 =	vadd.s32 v15, v5;
	v3 =	vsub.f32 v16, v3  }
0x6c: {  	s24 =	sshll.u32 s23, $0x1;
	v4 =	vsub.f32 v6, v4;
	v6 =	vadd.s32 v20, v22;
	v16 =	vld [tilespmem:s25+$0xFFFFFFE0];
	v22 =	vtrunc.f32 v8  }
0x6d: {  	s28 =	simm.s32 $0x3F40;
	v15 =	vcvt.s32.f32 v11;
	s25 =	simm.s32 $0x0;
	v20 =	vld [tilespmem:s26+$0xFFFFFFE0];
	s26 =	simm.s32 $0xC0;
	v22 =	vcvt.f32.s32 v22;
	v11 =	vsub.f32 $1.000000000e+00, v3  }
.LBB2_3:
0x6e: {  	v24 =	vld [tilespmem:s28+$0x20];
	s25 =	sadd.s32 $0x8, s25;
	v25 =	vmul.f32 $2.000000000e+01, v10;
	v18 =	vcvt.s32.f32 v18  }
0x6f: {  	v15 =	vsub.f32 v9, v15;
	v26 =	vld [tilespmem:s28+$0xFFFFFFD0];
	p0 =	slt.u32 s25, $0x1E8;
	v27 =	vcvt.s32.f32 v22;
	v22 =	vadd.s32 v22, v23  }
0x70: {  	v28 =	vadd.s32 v0, v17;
	v23 =	vld [tilespmem:s28+$0x0];
	v9 =	vtrunc.f32 v25;
	v19 =	vmul.u32 $0x16, v19  }
0x71: {  	v10 =	vld [tilespmem:s26+$0xFFFFFFC0];
	v27 =	vsub.f32 v8, v27;
	v8 =	vsub.f32 v14, v18;
	v14 =	vadd.s32 v2, v17  }
0x72: {  	v9 =	vcvt.f32.s32 v9;
	v17 =	vld [tilespmem:s26+$0xFFFFFFD0];
	v18 =	vmul.f32 $2.000000000e+01, v20;
	v20 =	vsub.f32 $1.000000000e+00, v15  }
0x73: {  	v21 =	vsub.f32 v13, v21;
	v29 =	vld [tilespmem:s28+$0x10];
	v13 =	vsub.f32 $1.000000000e+00, v8  }
0x74: {  	v33 =	vadd.s32 v0, v22;
	v31 =	vcvt.s32.f32 v9;
	v30 =	vld [tilespmem:s28+$0xFFFFFFF0];
	v32 =	vtrunc.f32 v18  }
0x75: {  	v9 =	vadd.s32 v9, v19;
	v34 =	vld [tilespmem:s26+$0x30];
	v19 =	vcvt.f32.s32 v32;
	v32 =	vadd.s32 v0, v7  }
0x76: {  	v25 =	vsub.f32 v25, v31;
	v31 =	vadd.s32 v0, v5;
	[tilespmem:v28+s18+$0x0] =	vst.idx.add.f32.msk $0xffff, v13  }
0x77: {  	v22 =	vadd.s32 v2, v22;
	v13 =	vmul.u32 $0x16, v16;
	v16 =	vsub.f32 $1.000000000e+00, v27;
	[tilespmem:v14+s18+$0x0] =	vst.idx.add.f32.msk $0xffff, v8  }
0x78: {  	v35 =	vsub.f32 $1.000000000e+00, v21;
	v14 =	vadd.s32 v0, v9;
	v28 =	vcvt.s32.f32 v19;
	v8 =	vld [tilespmem:s26+$0xFFFFFFF0]  }
0x79: {  	v9 =	vadd.s32 v2, v9;
	v13 =	vadd.s32 v19, v13;
	v36 =	vld [tilespmem:s26+$0x20]  }
0x7a: {  	v19 =	vsub.f32 v18, v28;
	[tilespmem:v32+s18+$0x0] =	vst.idx.add.f32.msk $0xffff, v35  }
0x7b: {  	v28 =	vsub.f32 $1.000000000e+00, v25;
	v18 =	vld [tilespmem:s26+$0x0]  }
0x7c: {  	v35 =	vadd.s32 v0, v13;
	v32 =	vld [tilespmem:s28+$0x30]  }
0x7d: {  	v7 =	vadd.s32 v2, v7;
	v37 =	vld [tilespmem:s26+$0x10]  }
0x7e: {  	[tilespmem:v14+s18+$0x0] =	vst.idx.add.f32.msk $0xffff, v28;
	v28 =	vadd.s32 v2, v13  }
0x7f: {  	v38 =	vadd.s32 v0, v12;
	[tilespmem:v9+s18+$0x0] =	vst.idx.add.f32.msk $0xffff, v25;
	v25 =	vadd.s32 v2, v5;
	v5 =	vsub.f32 $1.000000000e+00, v19  }
0x80: {  	v12 =	vadd.s32 v2, v12;
	v8 =	vmul.f32 $2.000000000e+01, v8;
	v39 =	vmul.f32 $2.000000000e+01, v18;
	[tilespmem:v33+s18+$0x0] =	vst.idx.add.f32.msk $0xffff, v16  }
0x81: {  	v9 =	vmul.f32 $2.000000000e+01, v34;
	v16 =	vmul.u32 $0x16, v24;
	[tilespmem:v31+s18+$0x0] =	vst.idx.add.f32.msk $0xffff, v11;
	v11 =	vadd.s32 v0, v6  }
0x82: {  	v6 =	vadd.s32 v2, v6;
	v18 =	vtrunc.f32 v39;
	v13 =	vmul.f32 $2.000000000e+01, v37;
	[tilespmem:v7+s18+$0x0] =	vst.idx.add.f32.msk $0xffff, v21  }
0x83: {  	v14 =	vmul.f32 $2.000000000e+01, v36;
	v21 =	vmul.f32 $2.000000000e+01, v17;
	[tilespmem:v35+s18+$0x0] =	vst.idx.add.f32.msk $0xffff, v5;
	v5 =	vsub.f32 $1.000000000e+00, v4  }
0x84: {  	v24 =	vmul.u32 $0x16, v32;
	v17 =	vtrunc.f32 v9;
	v7 =	vtrunc.f32 v13;
	[tilespmem:v38+s18+$0x0] =	vst.idx.add.f32.msk $0xffff, v20  }
0x85: {  	v20 =	vtrunc.f32 v21;
	v31 =	vcvt.f32.s32 v7;
	v7 =	vmul.u32 $0x16, v29;
	[tilespmem:v12+s18+$0x0] =	vst.idx.add.f32.msk $0xffff, v15  }
0x86: {  	v12 =	vcvt.f32.s32 v20;
	v15 =	vmul.u32 $0x16, v26;
	v20 =	vtrunc.f32 v14;
	[tilespmem:v11+s18+$0x0] =	vst.idx.add.f32.msk $0xffff, v5  }
0x87: {  	v26 =	vcvt.f32.s32 v17;
	v11 =	vcvt.f32.s32 v18;
	v7 =	vadd.s32 v31, v7;
	[tilespmem:v22+s18+$0x0] =	vst.idx.add.f32.msk $0xffff, v27  }
0x88: {  	v18 =	vcvt.f32.s32 v20;
	v22 =	vcvt.s32.f32 v12;
	v5 =	vadd.s32 v12, v15;
	[tilespmem:v28+s18+$0x0] =	vst.idx.add.f32.msk $0xffff, v19  }
.Ltmp4:
0x89: {  	v20 =	vmul.u32 $0x16, v23;
	v15 =	vcvt.s32.f32 v26;
	v12 =	vcvt.s32.f32 v11;
	[tilespmem:v6+s18+$0x0] =	vst.idx.add.f32.msk $0xffff, v4;
	(pc) =	sbr.rel @p0 .LBB2_3-.Ltmp4, $4  }
0x8a: {  	v17 =	vadd.s32 v18, v16;
	[tilespmem:v25+s18+$0x0] =	vst.idx.add.f32.msk $0xffff, v3;
	v3 =	vsub.f32 v21, v22  }
0x8b: {  	v6 =	vadd.s32 v11, v20;
	v4 =	vsub.f32 v39, v12;
	v12 =	vadd.s32 v26, v24;
	v19 =	vld [tilespmem:s28+$0xFFFFFFC0]  }
0x8c: {  	v21 =	vtrunc.f32 v8;
	v11 =	vsub.f32 $1.000000000e+00, v3;
	v16 =	vld [tilespmem:s28+$0xFFFFFFE0]  }
0x8d: {  	v23 =	vmul.u32 $0x16, v30;
	v22 =	vcvt.f32.s32 v21;
	v21 =	vcvt.s32.f32 v31;
	s28 =	sadd.s32 $0x80, s28;
	v20 =	vld [tilespmem:s26+$0xFFFFFFE0];
	s26 =	sadd.s32 $0x80, s26  }
0x8e: {  	v43 =	vadd.s32 v0, v7  }
0x8f: {  	v48 =	vadd.s32 v0, v5;
	v13 =	vsub.f32 v13, v21  }
0x90: {  	v10 =	vmul.f32 $2.000000000e+01, v10;
	v18 =	vcvt.s32.f32 v18;
	v54 =	vadd.s32 v0, v12  }
0x91: {  	v9 =	vsub.f32 v9, v15;
	v57 =	vadd.s32 v0, v6;
	v47 =	vsub.f32 $1.000000000e+00, v13  }
0x92: {  	v25 =	vadd.s32 v0, v17;
	v41 =	vadd.s32 v2, v17;
	v51 =	vadd.s32 v2, v7  }
0x93: {  	v55 =	vadd.s32 v2, v12;
	v14 =	vsub.f32 v14, v18;
	v58 =	vsub.f32 $1.000000000e+00, v9;
	[tilespmem:v43+s18+$0x0] =	vst.idx.add.f32.msk $0xffff, v47  }
0x94: {  	v61 =	vadd.s32 v2, v6;
	v62 =	vsub.f32 $1.000000000e+00, v4;
	v63 =	vadd.s32 v2, v5;
	[tilespmem:v48+s18+$0x0] =	vst.idx.add.f32.msk $0xffff, v11  }
0x95: {  	v24 =	vcvt.s32.f32 v22;
	v38 =	vadd.s32 v22, v23;
	v44 =	vsub.f32 $1.000000000e+00, v14;
	[tilespmem:v54+s18+$0x0] =	vst.idx.add.f32.msk $0xffff, v58  }
0x96: {  	v39 =	vtrunc.f32 v10;
	v19 =	vmul.u32 $0x16, v19;
	v20 =	vmul.f32 $2.000000000e+01, v20;
	[tilespmem:v57+s18+$0x0] =	vst.idx.add.f32.msk $0xffff, v62  }
0x97: {  	v45 =	vadd.s32 v0, v38;
	v59 =	vadd.s32 v2, v38;
	v40 =	vcvt.f32.s32 v39;
	[tilespmem:v25+s18+$0x0] =	vst.idx.add.f32.msk $0xffff, v44  }
0x98: {  	v16 =	vmul.u32 $0x16, v16;
	v8 =	vsub.f32 v8, v24;
	v26 =	vtrunc.f32 v20;
	[tilespmem:v51+s18+$0x0] =	vst.idx.add.f32.msk $0xffff, v13  }
0x99: {  	v42 =	vcvt.s32.f32 v40;
	v18 =	vadd.s32 v40, v19;
	[tilespmem:v55+s18+$0x0] =	vst.idx.add.f32.msk $0xffff, v9;
	v46 =	vcvt.f32.s32 v26  }
0x9a: {  	v52 =	vsub.f32 $1.000000000e+00, v8;
	v27 =	vadd.s32 v0, v18;
	v18 =	vadd.s32 v2, v18;
	[tilespmem:v61+s18+$0x0] =	vst.idx.add.f32.msk $0xffff, v4  }
0x9b: {  	[tilespmem:v63+s18+$0x0] =	vst.idx.add.f32.msk $0xffff, v3;
	v10 =	vsub.f32 v10, v42;
	v50 =	vcvt.s32.f32 v46;
	v16 =	vadd.s32 v46, v16  }
0x9c: {  	[tilespmem:v41+s18+$0x0] =	vst.idx.add.f32.msk $0xffff, v14;
	v23 =	vadd.s32 v0, v16  }
0x9d: {  	[tilespmem:v45+s18+$0x0] =	vst.idx.add.f32.msk $0xffff, v52;
	v49 =	vsub.f32 $1.000000000e+00, v10;
	v60 =	vadd.s32 v2, v16;
	v53 =	vsub.f32 v20, v50  }
0x9e: {  	[tilespmem:v59+s18+$0x0] =	vst.idx.add.f32.msk $0xffff, v8  }
0x9f: {  	[tilespmem:v27+s18+$0x0] =	vst.idx.add.f32.msk $0xffff, v49;
	v56 =	vsub.f32 $1.000000000e+00, v53  }
0xa0: {  	[tilespmem:v18+s18+$0x0] =	vst.idx.add.f32.msk $0xffff, v10  }
0xa1: {  	[tilespmem:v23+s18+$0x0] =	vst.idx.add.f32.msk $0xffff, v56  }
0xa2: {  	s25 =	simm.s32 $0x0;
	[tilespmem:v60+s18+$0x0] =	vst.idx.add.f32.msk $0xffff, v53  }
.LBB2_5:
0xa3: {  	s26 =	sshra.s32 s25, $0x2  }
0xa4: {  	v3 =	vld [tilespmem:s26+$0x1F00];
	_ =	sdelay $0x2  }
0xa5: {  	v4 =	vld [tilespmem:s26+$0x5D80];
	_ =	sdelay $0x1  }
0xa6: {  	v3 =	vmul.f32 $2.000000000e+01, v3;
	_ =	sdelay $0x1  }
0xa7: {  	v5 =	vtrunc.f32 v3  }
0xa8: {  	v4 =	vmul.u32 $0x16, v4;
	v5 =	vcvt.f32.s32 v5;
	_ =	sdelay $0x1  }
0xa9: {  	v6 =	vcvt.s32.f32 v5;
	v4 =	vadd.s32 v5, v4  }
0xaa: {  	v5 =	vadd.s32 v0, v4  }
0xab: {  	p0 =	sne.s32 s25, $0xC0;
	v4 =	vadd.s32 v2, v4;
	v3 =	vsub.f32 v3, v6  }
.Ltmp5:
0xac: {  	_ = 	snop;
	(pc) =	sbr.rel @p0 .LBB2_5-.Ltmp5, $3  }
0xad: {  	v6 =	vsub.f32 $1.000000000e+00, v3;
	_ =	sdelay $0x1  }
0xae: {  	[tilespmem:v5+s18+$0x0] =	vst.idx.add.f32.msk $0xffff, v6  }
0xaf: {  	s25 =	sadd.s32 $0x40, s25;
	[tilespmem:v4+s18+$0x0] =	vst.idx.add.f32.msk $0xffff, v3  }
0xb0: {  	s25 =	sadd.s32 $0x2, s24  }
0xb1: {  	p0 =	sge.u32 s25, s6  }
0xb2: {  	s25 =	sshll.u32 @!p0 s25, $0x5  }
0xb3: {  	s25 =	sor.u32 @!p0 s5, s25  }
0xb4: {  	s25 =	smul.u32 @!p0 $0x3E8, s25;
	_ =	sdelay $0x1  }
0xb5: {  	s28 =	simm.s32 @!p0 $0x0;
	s26 =	sadd.s32 @!p0 s1, s25  }
0xb6: {  	[tilespmem:s28], [sflag:$0x1] =	stream.linear.gather @!p0 [hbm4b:s26+s28], $0x1F40, $0x38;
	[tilespmem:$0x8500] =	vst v63  }
0xb7: {  	s31 =	sor.u32 $0x1, s24;
	s25 =	sadd.s32 @!p0 s2, s25;
	s26 =	simm.s32 @!p0 $0x3E80  }
0xb8: {  	[tilespmem:s26], [sflag:$0x3] =	stream.linear.gather @!p0 [hbm4b:s25+s28], $0x1F40, $0x38;
	[tilespmem:$0x8500] =	vst v63  }
0xb9: {  	p0 =	sge.u32 s31, s6  }
.Ltmp6:
0xba: {  	_ = 	snop;
	(pc) =	sbr.rel @p0 .LBB2_12-.Ltmp6, $1  }
0xbb: {  	_ =	sdelay $0x3  }
0xbc: {  	_ =	swait.ge [sflag:s19], $0x1F40  }
0xbd: {  	[sflag:s19] =	ssyncset.done $0x0  }
0xbe: {  	[sflag:s19] =	ssyncadd.s32 $0xFFFFE0C0  }
0xbf: {  	_ =	swait.ge [sflag:s20], $0x1F40  }
0xc0: {  	[sflag:s20] =	ssyncset.done $0x0  }
0xc1: {  	s26 =	simm.s32 $0x1FB0;
	[sflag:s20] =	ssyncadd.s32 $0xFFFFE0C0  }
0xc2: {  	v4 =	vld [tilespmem:s26+$0x0]  }
0xc3: {  	v5 =	vld [tilespmem:s26+$0xFFFFFFC0]  }
0xc4: {  	v6 =	vld [tilespmem:s26+$0xFFFFFFD0]  }
0xc5: {  	v7 =	vld [tilespmem:s26+$0xFFFFFFE0]  }
0xc6: {  	v10 =	vld [tilespmem:s26+$0xFFFFFFA0]  }
0xc7: {  	s25 =	simm.s32 $0x5E30;
	v11 =	vld [tilespmem:s26+$0xFFFFFFF0]  }
0xc8: {  	v3 =	vld [tilespmem:s25+$0xFFFFFFF0]  }
0xc9: {  	v12 =	vld [tilespmem:s25+$0x0]  }
0xca: {  	v23 =	vld [tilespmem:s25+$0xFFFFFFC0];
	v8 =	vmul.f32 $2.000000000e+01, v5;
	v6 =	vmul.f32 $2.000000000e+01, v6  }
0xcb: {  	v15 =	vld [tilespmem:s25+$0xFFFFFFE0];
	v9 =	vmul.f32 $2.000000000e+01, v4;
	v13 =	vmul.f32 $2.000000000e+01, v7  }
0xcc: {  	v5 =	vld [tilespmem:s25+$0xFFFFFFA0];
	v16 =	vmul.f32 $2.000000000e+01, v10;
	v14 =	vmul.f32 $2.000000000e+01, v11  }
0xcd: {  	v10 =	vld [tilespmem:s25+$0xFFFFFFD0];
	v17 =	vmul.u32 $0x16, v3;
	v4 =	vtrunc.f32 v6;
	v3 =	vtrunc.f32 v13  }
0xce: {  	v12 =	vmul.u32 $0x16, v12;
	v11 =	vtrunc.f32 v9;
	v7 =	vtrunc.f32 v16  }
0xcf: {  	v23 =	vmul.u32 $0x16, v23;
	v18 =	vtrunc.f32 v14;
	v21 =	vcvt.f32.s32 v3  }
0xd0: {  	v3 =	vmul.u32 $0x16, v15;
	v15 =	vcvt.f32.s32 v7;
	v20 =	vcvt.f32.s32 v4  }
0xd1: {  	v11 =	vcvt.f32.s32 v11;
	v18 =	vcvt.f32.s32 v18;
	v5 =	vmul.u32 $0x16, v5  }
0xd2: {  	v7 =	vadd.s32 v21, v3;
	v3 =	vcvt.s32.f32 v15;
	v22 =	vmul.u32 $0x16, v10;
	v10 =	vld [tilespmem:s26+$0xFFFFFF90]  }
0xd3: {  	v4 =	vcvt.s32.f32 v20;
	v17 =	vadd.s32 v18, v17;
	v12 =	vadd.s32 v11, v12  }
0xd4: {  	v19 =	vld [tilespmem:s25+$0xFFFFFF90];
	v21 =	vcvt.s32.f32 v21;
	v5 =	vadd.s32 v15, v5;
	v3 =	vsub.f32 v16, v3  }
0xd5: {  	v4 =	vsub.f32 v6, v4;
	v6 =	vadd.s32 v20, v22;
	v16 =	vld [tilespmem:s25+$0xFFFFFFB0];
	v22 =	vtrunc.f32 v8  }
0xd6: {  	s28 =	simm.s32 $0x2030;
	v15 =	vcvt.s32.f32 v11;
	s25 =	simm.s32 $0x0;
	v20 =	vld [tilespmem:s26+$0xFFFFFFB0];
	s26 =	simm.s32 $0x5EB0;
	v22 =	vcvt.f32.s32 v22;
	v11 =	vsub.f32 $1.000000000e+00, v3  }
.LBB2_8:
0xd7: {  	v24 =	vld [tilespmem:s26+$0xFFFFFFF0];
	s25 =	sadd.s32 $0x8, s25;
	v25 =	vmul.f32 $2.000000000e+01, v10;
	v18 =	vcvt.s32.f32 v18  }
0xd8: {  	v15 =	vsub.f32 v9, v15;
	v26 =	vld [tilespmem:s26+$0xFFFFFFA0];
	p0 =	slt.u32 s25, $0x1E8;
	v27 =	vcvt.s32.f32 v22;
	v22 =	vadd.s32 v22, v23  }
0xd9: {  	v28 =	vadd.s32 v0, v17;
	v23 =	vld [tilespmem:s26+$0xFFFFFFD0];
	v9 =	vtrunc.f32 v25;
	v19 =	vmul.u32 $0x16, v19  }
0xda: {  	v10 =	vld [tilespmem:s28+$0xFFFFFF90];
	v27 =	vsub.f32 v8, v27;
	v8 =	vsub.f32 v14, v18;
	v14 =	vadd.s32 v2, v17  }
0xdb: {  	v9 =	vcvt.f32.s32 v9;
	v17 =	vld [tilespmem:s28+$0xFFFFFFA0];
	v18 =	vmul.f32 $2.000000000e+01, v20;
	v20 =	vsub.f32 $1.000000000e+00, v15  }
0xdc: {  	v21 =	vsub.f32 v13, v21;
	v29 =	vld [tilespmem:s26+$0xFFFFFFE0];
	v13 =	vsub.f32 $1.000000000e+00, v8  }
0xdd: {  	v33 =	vadd.s32 v0, v22;
	v31 =	vcvt.s32.f32 v9;
	v30 =	vld [tilespmem:s26+$0xFFFFFFC0];
	v32 =	vtrunc.f32 v18  }
0xde: {  	v9 =	vadd.s32 v9, v19;
	v34 =	vld [tilespmem:s28+$0x0];
	v19 =	vcvt.f32.s32 v32;
	v32 =	vadd.s32 v0, v7  }
0xdf: {  	v25 =	vsub.f32 v25, v31;
	v31 =	vadd.s32 v0, v5;
	[tilespmem:v28+s18+$0x0] =	vst.idx.add.f32.msk $0xffff, v13  }
0xe0: {  	v22 =	vadd.s32 v2, v22;
	v13 =	vmul.u32 $0x16, v16;
	v16 =	vsub.f32 $1.000000000e+00, v27;
	[tilespmem:v14+s18+$0x0] =	vst.idx.add.f32.msk $0xffff, v8  }
0xe1: {  	v35 =	vsub.f32 $1.000000000e+00, v21;
	v14 =	vadd.s32 v0, v9;
	v28 =	vcvt.s32.f32 v19;
	v8 =	vld [tilespmem:s28+$0xFFFFFFC0]  }
0xe2: {  	v9 =	vadd.s32 v2, v9;
	v13 =	vadd.s32 v19, v13;
	v36 =	vld [tilespmem:s28+$0xFFFFFFF0]  }
0xe3: {  	v19 =	vsub.f32 v18, v28;
	[tilespmem:v32+s18+$0x0] =	vst.idx.add.f32.msk $0xffff, v35  }
0xe4: {  	v28 =	vsub.f32 $1.000000000e+00, v25;
	v18 =	vld [tilespmem:s28+$0xFFFFFFD0]  }
0xe5: {  	v35 =	vadd.s32 v0, v13;
	v32 =	vld [tilespmem:s26+$0x0]  }
0xe6: {  	v7 =	vadd.s32 v2, v7;
	v37 =	vld [tilespmem:s28+$0xFFFFFFE0]  }
0xe7: {  	[tilespmem:v14+s18+$0x0] =	vst.idx.add.f32.msk $0xffff, v28;
	v28 =	vadd.s32 v2, v13  }
0xe8: {  	v38 =	vadd.s32 v0, v12;
	[tilespmem:v9+s18+$0x0] =	vst.idx.add.f32.msk $0xffff, v25;
	v25 =	vadd.s32 v2, v5;
	v5 =	vsub.f32 $1.000000000e+00, v19  }
0xe9: {  	v12 =	vadd.s32 v2, v12;
	v8 =	vmul.f32 $2.000000000e+01, v8;
	v39 =	vmul.f32 $2.000000000e+01, v18;
	[tilespmem:v33+s18+$0x0] =	vst.idx.add.f32.msk $0xffff, v16  }
0xea: {  	v9 =	vmul.f32 $2.000000000e+01, v34;
	v16 =	vmul.u32 $0x16, v24;
	[tilespmem:v31+s18+$0x0] =	vst.idx.add.f32.msk $0xffff, v11;
	v11 =	vadd.s32 v0, v6  }
0xeb: {  	v6 =	vadd.s32 v2, v6;
	v18 =	vtrunc.f32 v39;
	v13 =	vmul.f32 $2.000000000e+01, v37;
	[tilespmem:v7+s18+$0x0] =	vst.idx.add.f32.msk $0xffff, v21  }
0xec: {  	v14 =	vmul.f32 $2.000000000e+01, v36;
	v21 =	vmul.f32 $2.000000000e+01, v17;
	[tilespmem:v35+s18+$0x0] =	vst.idx.add.f32.msk $0xffff, v5;
	v5 =	vsub.f32 $1.000000000e+00, v4  }
0xed: {  	v24 =	vmul.u32 $0x16, v32;
	v17 =	vtrunc.f32 v9;
	v7 =	vtrunc.f32 v13;
	[tilespmem:v38+s18+$0x0] =	vst.idx.add.f32.msk $0xffff, v20  }
0xee: {  	v20 =	vtrunc.f32 v21;
	v31 =	vcvt.f32.s32 v7;
	v7 =	vmul.u32 $0x16, v29;
	[tilespmem:v12+s18+$0x0] =	vst.idx.add.f32.msk $0xffff, v15  }
0xef: {  	v12 =	vcvt.f32.s32 v20;
	v15 =	vmul.u32 $0x16, v26;
	v20 =	vtrunc.f32 v14;
	[tilespmem:v11+s18+$0x0] =	vst.idx.add.f32.msk $0xffff, v5  }
0xf0: {  	v26 =	vcvt.f32.s32 v17;
	v11 =	vcvt.f32.s32 v18;
	v7 =	vadd.s32 v31, v7;
	[tilespmem:v22+s18+$0x0] =	vst.idx.add.f32.msk $0xffff, v27  }
0xf1: {  	v18 =	vcvt.f32.s32 v20;
	v22 =	vcvt.s32.f32 v12;
	v5 =	vadd.s32 v12, v15;
	[tilespmem:v28+s18+$0x0] =	vst.idx.add.f32.msk $0xffff, v19  }
.Ltmp7:
0xf2: {  	v20 =	vmul.u32 $0x16, v23;
	v15 =	vcvt.s32.f32 v26;
	v12 =	vcvt.s32.f32 v11;
	[tilespmem:v6+s18+$0x0] =	vst.idx.add.f32.msk $0xffff, v4;
	(pc) =	sbr.rel @p0 .LBB2_8-.Ltmp7, $4  }
0xf3: {  	v17 =	vadd.s32 v18, v16;
	[tilespmem:v25+s18+$0x0] =	vst.idx.add.f32.msk $0xffff, v3;
	v3 =	vsub.f32 v21, v22  }
0xf4: {  	v6 =	vadd.s32 v11, v20;
	v4 =	vsub.f32 v39, v12;
	v12 =	vadd.s32 v26, v24;
	v19 =	vld [tilespmem:s26+$0xFFFFFF90]  }
0xf5: {  	v21 =	vtrunc.f32 v8;
	v11 =	vsub.f32 $1.000000000e+00, v3;
	v16 =	vld [tilespmem:s26+$0xFFFFFFB0]  }
0xf6: {  	v23 =	vmul.u32 $0x16, v30;
	v22 =	vcvt.f32.s32 v21;
	v21 =	vcvt.s32.f32 v31;
	s26 =	sadd.s32 $0x80, s26;
	v20 =	vld [tilespmem:s28+$0xFFFFFFB0];
	s28 =	sadd.s32 $0x80, s28  }
0xf7: {  	v43 =	vadd.s32 v0, v7  }
0xf8: {  	v48 =	vadd.s32 v0, v5;
	v13 =	vsub.f32 v13, v21  }
0xf9: {  	v10 =	vmul.f32 $2.000000000e+01, v10;
	v18 =	vcvt.s32.f32 v18;
	v54 =	vadd.s32 v0, v12  }
0xfa: {  	v9 =	vsub.f32 v9, v15;
	v57 =	vadd.s32 v0, v6;
	v47 =	vsub.f32 $1.000000000e+00, v13  }
0xfb: {  	v25 =	vadd.s32 v0, v17;
	v41 =	vadd.s32 v2, v17;
	v51 =	vadd.s32 v2, v7  }
0xfc: {  	v55 =	vadd.s32 v2, v12;
	v14 =	vsub.f32 v14, v18;
	v58 =	vsub.f32 $1.000000000e+00, v9;
	[tilespmem:v43+s18+$0x0] =	vst.idx.add.f32.msk $0xffff, v47  }
0xfd: {  	v61 =	vadd.s32 v2, v6;
	v62 =	vsub.f32 $1.000000000e+00, v4;
	v63 =	vadd.s32 v2, v5;
	[tilespmem:v48+s18+$0x0] =	vst.idx.add.f32.msk $0xffff, v11  }
0xfe: {  	v24 =	vcvt.s32.f32 v22;
	v38 =	vadd.s32 v22, v23;
	v44 =	vsub.f32 $1.000000000e+00, v14;
	[tilespmem:v54+s18+$0x0] =	vst.idx.add.f32.msk $0xffff, v58  }
0xff: {  	v39 =	vtrunc.f32 v10;
	v19 =	vmul.u32 $0x16, v19;
	v20 =	vmul.f32 $2.000000000e+01, v20;
	[tilespmem:v57+s18+$0x0] =	vst.idx.add.f32.msk $0xffff, v62  }
0x100: {  	v45 =	vadd.s32 v0, v38;
	v59 =	vadd.s32 v2, v38;
	v40 =	vcvt.f32.s32 v39;
	[tilespmem:v25+s18+$0x0] =	vst.idx.add.f32.msk $0xffff, v44  }
0x101: {  	v16 =	vmul.u32 $0x16, v16;
	v8 =	vsub.f32 v8, v24;
	v26 =	vtrunc.f32 v20;
	[tilespmem:v51+s18+$0x0] =	vst.idx.add.f32.msk $0xffff, v13  }
0x102: {  	v42 =	vcvt.s32.f32 v40;
	v18 =	vadd.s32 v40, v19;
	[tilespmem:v55+s18+$0x0] =	vst.idx.add.f32.msk $0xffff, v9;
	v46 =	vcvt.f32.s32 v26  }
0x103: {  	v52 =	vsub.f32 $1.000000000e+00, v8;
	v27 =	vadd.s32 v0, v18;
	v18 =	vadd.s32 v2, v18;
	[tilespmem:v61+s18+$0x0] =	vst.idx.add.f32.msk $0xffff, v4  }
0x104: {  	[tilespmem:v63+s18+$0x0] =	vst.idx.add.f32.msk $0xffff, v3;
	v10 =	vsub.f32 v10, v42;
	v50 =	vcvt.s32.f32 v46;
	v16 =	vadd.s32 v46, v16  }
0x105: {  	[tilespmem:v41+s18+$0x0] =	vst.idx.add.f32.msk $0xffff, v14;
	v23 =	vadd.s32 v0, v16  }
0x106: {  	[tilespmem:v45+s18+$0x0] =	vst.idx.add.f32.msk $0xffff, v52;
	v49 =	vsub.f32 $1.000000000e+00, v10;
	v60 =	vadd.s32 v2, v16;
	v53 =	vsub.f32 v20, v50  }
0x107: {  	[tilespmem:v59+s18+$0x0] =	vst.idx.add.f32.msk $0xffff, v8  }
0x108: {  	[tilespmem:v27+s18+$0x0] =	vst.idx.add.f32.msk $0xffff, v49;
	v56 =	vsub.f32 $1.000000000e+00, v53  }
0x109: {  	[tilespmem:v18+s18+$0x0] =	vst.idx.add.f32.msk $0xffff, v10  }
0x10a: {  	[tilespmem:v23+s18+$0x0] =	vst.idx.add.f32.msk $0xffff, v56  }
0x10b: {  	s25 =	simm.s32 $0x0;
	[tilespmem:v60+s18+$0x0] =	vst.idx.add.f32.msk $0xffff, v53  }
.LBB2_10:
0x10c: {  	s26 =	sshra.s32 s25, $0x2  }
0x10d: {  	v3 =	vld [tilespmem:s26+$0x3E40];
	_ =	sdelay $0x2  }
0x10e: {  	v4 =	vld [tilespmem:s26+$0x7CC0];
	_ =	sdelay $0x1  }
0x10f: {  	v3 =	vmul.f32 $2.000000000e+01, v3;
	_ =	sdelay $0x1  }
0x110: {  	v5 =	vtrunc.f32 v3  }
0x111: {  	v4 =	vmul.u32 $0x16, v4;
	v5 =	vcvt.f32.s32 v5;
	_ =	sdelay $0x1  }
0x112: {  	v6 =	vcvt.s32.f32 v5;
	v4 =	vadd.s32 v5, v4  }
0x113: {  	v5 =	vadd.s32 v0, v4  }
0x114: {  	p0 =	sne.s32 s25, $0xC0;
	v4 =	vadd.s32 v2, v4;
	v3 =	vsub.f32 v3, v6  }
.Ltmp8:
0x115: {  	_ = 	snop;
	(pc) =	sbr.rel @p0 .LBB2_10-.Ltmp8, $3  }
0x116: {  	v6 =	vsub.f32 $1.000000000e+00, v3;
	_ =	sdelay $0x1  }
0x117: {  	[tilespmem:v5+s18+$0x0] =	vst.idx.add.f32.msk $0xffff, v6  }
0x118: {  	s25 =	sadd.s32 $0x40, s25;
	[tilespmem:v4+s18+$0x0] =	vst.idx.add.f32.msk $0xffff, v3  }
0x119: {  	s24 =	sadd.s32 $0x3, s24  }
0x11a: {  	p0 =	sge.u32 s24, s6  }
0x11b: {  	s24 =	sshll.u32 @!p0 s24, $0x5  }
0x11c: {  	s24 =	sor.u32 @!p0 s5, s24  }
0x11d: {  	s24 =	smul.u32 @!p0 $0x3E8, s24  }
.Ltmp9:
0x11e: {  	_ = 	snop;
	(pc) =	sbr.rel .LBB2_12-.Ltmp9, $4  }
0x11f: {  	s26 =	simm.s32 @!p0 $0x0;
	s28 =	simm.s32 @!p0 $0x1F40;
	s25 =	sadd.s32 @!p0 s1, s24  }
0x120: {  	[tilespmem:s28], [sflag:$0x2] =	stream.linear.gather @!p0 [hbm4b:s25+s26], $0x1F40, $0x38;
	[tilespmem:$0x8500] =	vst v63  }
0x121: {  	s24 =	sadd.s32 @!p0 s2, s24;
	s25 =	simm.s32 @!p0 $0x5DC0  }
0x122: {  	[tilespmem:s25], [sflag:$0x4] =	stream.linear.gather @!p0 [hbm4b:s24+s26], $0x1F40, $0x38;
	[tilespmem:$0x8500] =	vst v63  }
.LBB2_14:
0x123: {  	_ =	sfence.sel $0x180000  }
0x124: {  	[bflag:$0x0] =	sbarrier.arrive $0xFFFF  }
0x125: {  	p0 =	sne.s32 s3, $0x0;
	_ =	strace $0x90000047  }
0x126: {  	s0 =	sadd.s32 @!p0 $0x100000, s0;
	[bflag:$0x2] =	sbarrier.arrive $0xFFFF  }
0x127: {  	[sflag:s0] =	ssyncadd.tile.s32 @!p0 $0x1;
	_ =	shalt  }
.Lfunc_end2:
_tile_overlayer_lowered:
.L_overlay_start_2:
0x128: {  	(tag) =	ssettag $0x2  }
0x129: {  	s0 =	rddreg [dreg:$0x0];
	s2 =	stileid.u32  }
0x12a: {  	s1 =	rddreg [dreg:$0x1];
	p0 =	sne.s32 s2, $0x0  }
0x12b: {  	s3 =	rddreg [dreg:$0x2];
	[bflag:$0x3] =	sbarrier.arrive $0xFFFF;
	s2 =	simm.s32 @!p0 $0x1C05  }
0x12c: {  	[timem:s3], [sflag:s2] =	dma.local @!p0 [hbm:s0], s1  }
0x12d: {  	s0 =	simm.s32 @!p0 $0x5  }
0x12e: {  	_ =	swait.ge @!p0 [sflag:s0], s1  }
0x12f: {  	s1 =	ssub.s32 @!p0 $0x0, s1;
	[sflag:s0] =	ssyncset.done @!p0 $0x0  }
0x130: {  	[sflag:s0] =	ssyncadd.s32 @!p0 s1  }
0x131: {  	[bflag:$0x3] =	sbarrier.arrive $0xFFFF  }
0x132: {  	_ =	shalt  }

</sc_bundles>
